<compile_context>
chip_gen: v7x
topology: tpu7x:2x2x1
jax: 0.10.2.dev20260603
libtpu: 0.0.44.dev20260713+nightly
codegen_flags: <defaults>
</compile_context>

<pallas_src>
import functools

import jax
import jax.numpy as jnp
from jax import lax
from jax.experimental import pallas as pl
from jax.experimental.pallas import tpu as pltpu
from jax.experimental.pallas import tpu_sc as plsc

_PAD, _BOS, _EOS, _UNK = 1, 0, 2, 3
_B, _L, _D, _V = 4, 512, 1024, 4096
_LOUT = 4 * _L
_ROWS = _B * _LOUT

_NC, _NS = 2, 16
_NW = _NC * _NS
_BPW = _ROWS // _NW
_CH = 32
_NCHUNK = _BPW // _CH


def _to_col(x_row):
    n = x_row.shape[1]
    eye = (lax.broadcasted_iota(jnp.int32, (n, n), 0)
           == lax.broadcasted_iota(jnp.int32, (n, n), 1)).astype(jnp.float32)
    return jnp.dot(eye * x_row, jnp.ones((n, 1), jnp.float32),
                   preferred_element_type=jnp.float32)


def _edit_body(tok_ref, feat_ref, wdel_ref, wmask_ref, out_ref):
    feat = feat_ref[0]
    tok_col = tok_ref[0].astype(jnp.float32)

    io_r = lax.broadcasted_iota(jnp.int32, (_L, _L), 0).astype(jnp.float32)
    io_c = lax.broadcasted_iota(jnp.int32, (_L, _L), 1).astype(jnp.float32)
    tril = (io_c <= io_r).astype(jnp.float32)

    dl = jnp.dot(feat, wdel_ref[...], preferred_element_type=jnp.float32)
    del_f = (dl[:, 1:2] > dl[:, 0:1]).astype(jnp.float32)

    in_f = (tok_col != float(_PAD)).astype(jnp.float32)
    be_f = ((tok_col == float(_BOS)).astype(jnp.float32)
            + (tok_col == float(_EOS)).astype(jnp.float32))
    dp_f = in_f * del_f + (1.0 - in_f)
    dp_f = dp_f * (1.0 - be_f)
    keep = 1.0 - dp_f

    c_col = jnp.dot(tril, keep, preferred_element_type=jnp.float32) - 1.0
    sel = (c_col == io_c).astype(jnp.float32) * keep
    h1 = jnp.sum(sel, axis=0, keepdims=True)
    tok1_row = (jnp.sum(sel * tok_col, axis=0, keepdims=True)
                + (1.0 - h1) * float(_PAD))
    tok1_col = _to_col(tok1_row)

    ml = jnp.dot(feat, wmask_ref[...], preferred_element_type=jnp.float32)
    best = ml[:, 0:1]
    besti = jnp.zeros((_L, 1), jnp.float32)
    for k in range(1, 4):
        lk = ml[:, k:k + 1]
        g = (lk > best).astype(jnp.float32)
        besti = g * float(k) + (1.0 - g) * besti
        best = jnp.maximum(best, lk)
    ins_col = besti

    in1 = (tok1_col != float(_PAD)).astype(jnp.float32)
    tok1e = in1 * tok1_col + (1.0 - in1) * float(_EOS)
    len1 = jnp.sum(in1)

    zrow = jnp.zeros((1, 1), jnp.float32)
    valid_sh = jnp.concatenate([in1[1:, :], zrow], axis=0)
    val_sh = jnp.concatenate([tok1e[1:, :], zrow], axis=0)

    mask_ins = ins_col * valid_sh
    s_col = mask_ins + valid_sh
    out_len = len1 + jnp.sum(mask_ins)
    r_col = jnp.dot(tril, s_col, preferred_element_type=jnp.float32)

    jo = lax.broadcasted_iota(jnp.int32, (_L, _LOUT), 1).astype(jnp.float32)
    S = (r_col == jo).astype(jnp.float32) * valid_sh
    scat = jnp.sum(S * val_sh, axis=0, keepdims=True)
    hit = jnp.sum(S, axis=0, keepdims=True)

    jrow = lax.broadcasted_iota(jnp.int32, (1, _LOUT), 1).astype(jnp.float32)
    lt = (jrow < out_len).astype(jnp.float32)
    isz = (jrow == 0.0).astype(jnp.float32)
    base = isz * float(_BOS) + (1.0 - isz) * (
        lt * float(_UNK) + (1.0 - lt) * float(_PAD))
    out_row = scat + (1.0 - hit) * base
    out_ref[...] = out_row.astype(jnp.int32).reshape(1, 1, _LOUT)


def _mm_body(feat_ref, w_ref, tok_ref, out_ref, otok_ref):
    a = feat_ref[...]
    logits = jnp.dot(a, w_ref[...], preferred_element_type=jnp.float32)
    out_ref[...] = logits
    mx = jnp.max(logits, axis=1, keepdims=True)
    io = lax.broadcasted_iota(jnp.int32, logits.shape, 1)
    eq = (logits == mx).astype(jnp.int32)
    am = jnp.min(io + (1 - eq) * _V, axis=1, keepdims=True)
    t = tok_ref[...]
    u = (t == _UNK).astype(jnp.int32)
    otok_ref[...] = u * am + (1 - u) * t


_MM_TILE = 256


def _edit_call(tok3, dec_feat, wdel_p, wmask_p):
    return pl.pallas_call(
        _edit_body,
        grid=(_B,),
        in_specs=[
            pl.BlockSpec((1, _L, 1), lambda b: (b, 0, 0)),
            pl.BlockSpec((1, _L, _D), lambda b: (b, 0, 0)),
            pl.BlockSpec((_D, 128), lambda b: (0, 0)),
            pl.BlockSpec((_D, 128), lambda b: (0, 0)),
        ],
        out_specs=pl.BlockSpec((1, 1, _LOUT), lambda b: (b, 0, 0)),
        out_shape=jax.ShapeDtypeStruct((_B, 1, _LOUT), jnp.int32),
    )(tok3, dec_feat, wdel_p, wmask_p)


def _mm_call(feat2, W_word, tokc):
    return pl.pallas_call(
        _mm_body,
        grid=(_ROWS // _MM_TILE,),
        in_specs=[
            pl.BlockSpec((_MM_TILE, _D), lambda i: (i, 0)),
            pl.BlockSpec((_D, _V), lambda i: (0, 0)),
            pl.BlockSpec((_MM_TILE, 1), lambda i: (i, 0)),
        ],
        out_specs=[
            pl.BlockSpec((_MM_TILE, _V), lambda i: (i, 0)),
            pl.BlockSpec((_MM_TILE, 1), lambda i: (i, 0)),
        ],
        out_shape=[
            jax.ShapeDtypeStruct((_ROWS, _V), jnp.float32),
            jax.ShapeDtypeStruct((_ROWS, 1), jnp.int32),
        ],
    )(feat2, W_word, tokc)


@functools.cache
def _sc_gather_kernel():
    @functools.partial(
        pl.kernel,
        mesh=plsc.VectorSubcoreMesh(core_axis_name="c", subcore_axis_name="s"),
        out_type=jax.ShapeDtypeStruct((_ROWS, _D), jnp.float32),
        scratch_types=(
            [pltpu.VMEM((_BPW,), jnp.int32)]
            + [pltpu.VMEM((_CH, _D), jnp.float32) for _ in range(3)]
            + [pltpu.SemaphoreType.DMA for _ in range(6)]
        ),
    )
    def _sc_gather(embed_hbm, idx_hbm, out_hbm, idx_v, *rest):
        bufs = rest[:3]
        gsems = rest[3:6]
        wsems = rest[6:9]
        wid = lax.axis_index("s") * _NC + lax.axis_index("c")
        base = wid * _BPW
        pltpu.sync_copy(idx_hbm.at[pl.ds(base, _BPW)], idx_v)

        def gather(c):
            return pltpu.async_copy(
                embed_hbm.at[idx_v.at[pl.ds(c * _CH, _CH)]],
                bufs[c % 3], gsems[c % 3])

        g = [None] * _NCHUNK
        w = [None] * _NCHUNK
        g[0] = gather(0)
        g[1] = gather(1)
        for c in range(_NCHUNK):
            g[c].wait()
            if c + 2 < _NCHUNK:
                if c >= 1:
                    w[c - 1].wait()
                g[c + 2] = gather(c + 2)
            w[c] = pltpu.async_copy(
                bufs[c % 3], out_hbm.at[pl.ds(base + c * _CH, _CH)],
                wsems[c % 3])
        for c in range(_NCHUNK - 3, _NCHUNK):
            if w[c] is not None:
                w[c].wait()

    return _sc_gather


def kernel(in_tokens, dec_feat, embed, W_del, W_mask, W_word):
    tok3 = in_tokens.astype(jnp.int32).reshape(_B, _L, 1)
    wdel_p = jnp.pad(W_del, ((0, 0), (0, 126)))
    wmask_p = jnp.pad(W_mask, ((0, 0), (0, 124)))
    tok2 = _edit_call(tok3, dec_feat, wdel_p, wmask_p)
    idx = tok2.reshape(_ROWS)
    feat2 = _sc_gather_kernel()(embed, idx)
    logits, otok = _mm_call(feat2, W_word, tok2.reshape(_ROWS, 1))
    return otok.reshape(_B, _LOUT), logits.reshape(_B, _LOUT, _V)

# --- scband reference (transcript-rebuilt; emitter-appended) ---
"""Pipeline reference for scband-levenshtein-encode-decoder-70377334112632 (READ-ONLY COPY).

The authoritative reference and input builder live on the scoring server;
editing this copy changes nothing except your own understanding.
"""

import jax, jax.numpy as jnp
import numpy as np

PAD, BOS, EOS, UNK = 1, 0, 2, 3
B, L, D, V, K = 4, 512, 1024, 4096, 4
L_OUT = 4 * L  # static upper bound: L + (K-1)*(L-1) <= 4L


def setup_inputs(seed: int = 0) -> dict:
    key = jax.random.key(seed)
    k1, k2, k3, k4, k5, k6, k7 = jax.random.split(key, 7)
    tok = jax.random.randint(k1, (B, L), 4, V)
    lens = jax.random.randint(k2, (B,), L // 4, L)
    pos = jnp.arange(L)[None, :]
    tok = jnp.where(pos >= lens[:, None], PAD, tok)
    tok = tok.at[:, 0].set(BOS)
    tok = jnp.where(pos == (lens - 1)[:, None], EOS, tok)
    dec_feat = jax.random.normal(k3, (B, L, D), jnp.float32)
    embed = jax.random.normal(k4, (V, D), jnp.float32) * 0.02
    W_del = jax.random.normal(k5, (D, 2), jnp.float32) * 0.02
    W_mask = jax.random.normal(k6, (D, K), jnp.float32) * 0.02
    W_word = jax.random.normal(k7, (D, V), jnp.float32) * 0.02
    return {"in_tokens": tok, "dec_feat": dec_feat, "embed": embed,
            "W_del": W_del, "W_mask": W_mask, "W_word": W_word}


def _apply_del_words(tok, word_del_pred):
    # faithful port of _apply_del_words: mask deleted tokens and compact via stable sort
    in_masks = tok != PAD
    bos_eos = (tok == BOS) | (tok == EOS)
    dp = jnp.where(~in_masks, True, word_del_pred)
    dp = jnp.where(bos_eos, False, dp)
    max_len = tok.shape[1]
    ar = jnp.broadcast_to(jnp.arange(max_len)[None, :], tok.shape)
    keys = jnp.where(dp, max_len, ar)
    reordering = jnp.argsort(keys, axis=1)  # stable, matches torch sort(1)[1]
    out = jnp.take_along_axis(jnp.where(dp, PAD, tok), reordering, axis=1)
    return out


def _apply_ins_masks(tok, mask_ins_pred):
    # faithful port of _apply_ins_masks with static out length L_OUT
    in_masks = tok != PAD
    in_lengths = in_masks.sum(1)
    tok = jnp.where(~in_masks, EOS, tok)
    mask_ins = jnp.where(~in_masks[:, 1:], 0, mask_ins_pred)
    out_lengths = in_lengths + mask_ins.sum(1)
    out_masks = jnp.arange(L_OUT)[None, :] < out_lengths[:, None]
    reordering = jnp.cumsum(mask_ins + in_masks[:, 1:].astype(mask_ins.dtype), axis=1)
    out = jnp.full((tok.shape[0], L_OUT), PAD, tok.dtype)
    out = jnp.where(out_masks, jnp.asarray(UNK, tok.dtype), out)
    out = out.at[:, 0].set(tok[:, 0])
    rows = jnp.arange(tok.shape[0])[:, None]
    out = out.at[rows, reordering].set(tok[:, 1:])
    return out


def reference(in_tokens, dec_feat, embed, W_del, W_mask, W_word):
    # deletion head
    word_del_logits = jnp.einsum('bld,dc->blc', dec_feat, W_del)
    word_del_pred = jnp.argmax(word_del_logits, axis=-1).astype(bool)
    tok1 = _apply_del_words(in_tokens, word_del_pred)
    # placeholder-insertion head
    mask_ins_logits = jnp.einsum('bld,dc->blc', dec_feat[:, :-1, :], W_mask)
    mask_ins_pred = jnp.argmax(mask_ins_logits, axis=-1)
    tok2 = _apply_ins_masks(tok1, mask_ins_pred)
    # word-insertion head on the edited (expanded) token sequence
    feat2 = jnp.take(embed, tok2, axis=0)
    word_ins_logits = jnp.einsum('bld,dv->blv', feat2, W_word)
    word_ins_pred = jnp.argmax(word_ins_logits, axis=-1)
    out_tokens = jnp.where(tok2 == UNK, word_ins_pred.astype(tok2.dtype), tok2)  # _apply_ins_words
    return out_tokens, word_ins_logits

if __name__ == "__main__":
    import jax
    _d = setup_inputs()
    print(jax.jit(kernel)(*tuple(_d.values())))

</pallas_src>

<mosaic_0001>
#map = affine_map<(d0, d1) -> (0, 0)>
#map1 = affine_map<(d0, d1) -> (0)>
module attributes {stable_mosaic.version = 14 : i64} {
  func.func @_sc_gather(%arg0: i32, %arg1: i32, %arg2: memref<4096x1024xf32, #tpu.memory_space<hbm>>, %arg3: memref<8192xi32, #tpu.memory_space<hbm>>, %arg4: memref<8192x1024xf32, #tpu.memory_space<hbm>>, %arg5: memref<256xi32, #tpu.memory_space<vmem>>, %arg6: memref<32x1024xf32, #tpu.memory_space<vmem>>, %arg7: memref<32x1024xf32, #tpu.memory_space<vmem>>, %arg8: memref<32x1024xf32, #tpu.memory_space<vmem>>, %arg9: memref<!tpu.dma_semaphore, #tpu.memory_space<semaphore_mem>>, %arg10: memref<!tpu.dma_semaphore, #tpu.memory_space<semaphore_mem>>, %arg11: memref<!tpu.dma_semaphore, #tpu.memory_space<semaphore_mem>>, %arg12: memref<!tpu.dma_semaphore, #tpu.memory_space<semaphore_mem>>, %arg13: memref<!tpu.dma_semaphore, #tpu.memory_space<semaphore_mem>>, %arg14: memref<!tpu.dma_semaphore, #tpu.memory_space<semaphore_mem>>) attributes {dimension_semantics = [#tpu.dimension_semantics<core_parallel>, #tpu.dimension_semantics<subcore_parallel>], iteration_bounds = array<i64: 2, 16>, scalar_prefetch = 0 : i64, scratch_operands = 10 : i64, tpu.core_type = #tpu.core_type<sc_vector_subcore>, window_params = [{transform_indices = #map}, {transform_indices = #map1}, {transform_indices = #map}]} {
    %mul3A = arith.constant 2 : i32
    %mul3A_0 = arith.muli %arg1, %mul3A : i32
    %add3A = arith.addi %mul3A_0, %arg0 : i32
    %mul3A_1 = arith.constant 256 : i32
    %mul3A_2 = arith.muli %add3A, %mul3A_1 : i32
    "tpu.region"() ({
      %run_scoped3A = tpu.sem_alloc : memref<!tpu.dma_semaphore, #tpu.memory_space<semaphore_mem>>
      %dma_start3A_161 = tpu.memref_slice %arg3[%mul3A_2] : memref<8192xi32, #tpu.memory_space<hbm>> -> memref<256xi32, #tpu.memory_space<hbm>>
      %dma_start3A_162 = tpu.memref_slice %arg3[%mul3A_2] : memref<8192xi32, #tpu.memory_space<hbm>> -> memref<256xi32, #tpu.memory_space<hbm>>
      tpu.enqueue_dma source(%dma_start3A_162 : memref<256xi32, #tpu.memory_space<hbm>>) target(%arg5 : memref<256xi32, #tpu.memory_space<vmem>>) target_semaphore(%run_scoped3A : memref<!tpu.dma_semaphore, #tpu.memory_space<semaphore_mem>>)
      %dma_wait3A_163 = tpu.memref_slice %arg3[%mul3A_2] : memref<8192xi32, #tpu.memory_space<hbm>> -> memref<256xi32, #tpu.memory_space<hbm>>
      %dma_wait3A_164 = tpu.memref_slice %arg3[%mul3A_2] : memref<8192xi32, #tpu.memory_space<hbm>> -> memref<256xi32, #tpu.memory_space<hbm>>
      tpu.wait_dma2 semaphore(%run_scoped3A : memref<!tpu.dma_semaphore, #tpu.memory_space<semaphore_mem>>) src(%dma_wait3A_164 : memref<256xi32, #tpu.memory_space<hbm>>) dst(%arg5 : memref<256xi32, #tpu.memory_space<vmem>>)
      tpu.yield
    }) : () -> ()
    %dma_start3A = arith.constant 0 : i32
    %dma_start3A_3 = tpu.memref_slice %arg5[%dma_start3A] : memref<256xi32, #tpu.memory_space<vmem>> -> memref<32xi32, #tpu.memory_space<vmem>>
    %dma_start3A_4 = arith.constant 0 : i32
    %dma_start3A_5 = arith.constant 0 : i32
    %dma_start3A_6 = tpu.memref_slice %arg2[%dma_start3A_4, %dma_start3A_5] : memref<4096x1024xf32, #tpu.memory_space<hbm>> -> memref<4096x1024xf32, #tpu.memory_space<hbm>>
    tpu.enqueue_indirect_dma source(%dma_start3A_6 : memref<4096x1024xf32, #tpu.memory_space<hbm>>) target(%arg6 : memref<32x1024xf32, #tpu.memory_space<vmem>>) offsets(%dma_start3A_3 : memref<32xi32, #tpu.memory_space<vmem>>) semaphore(%arg9 : memref<!tpu.dma_semaphore, #tpu.memory_space<semaphore_mem>>)
    %dma_start3A_7 = arith.constant 32 : i32
    %dma_start3A_8 = tpu.memref_slice %arg5[%dma_start3A_7] : memref<256xi32, #tpu.memory_space<vmem>> -> memref<32xi32, #tpu.memory_space<vmem>>
    %dma_start3A_9 = arith.constant 0 : i32
    %dma_start3A_10 = arith.constant 0 : i32
    %dma_start3A_11 = tpu.memref_slice %arg2[%dma_start3A_9, %dma_start3A_10] : memref<4096x1024xf32, #tpu.memory_space<hbm>> -> memref<4096x1024xf32, #tpu.memory_space<hbm>>
    tpu.enqueue_indirect_dma source(%dma_start3A_11 : memref<4096x1024xf32, #tpu.memory_space<hbm>>) target(%arg7 : memref<32x1024xf32, #tpu.memory_space<vmem>>) offsets(%dma_start3A_8 : memref<32xi32, #tpu.memory_space<vmem>>) semaphore(%arg10 : memref<!tpu.dma_semaphore, #tpu.memory_space<semaphore_mem>>)
    %dma_wait3A = arith.constant 0 : i32
    %dma_wait3A_12 = tpu.memref_slice %arg5[%dma_wait3A] : memref<256xi32, #tpu.memory_space<vmem>> -> memref<32xi32, #tpu.memory_space<vmem>>
    %dma_wait3A_13 = arith.constant 0 : i32
    %dma_wait3A_14 = arith.constant 0 : i32
    %dma_wait3A_15 = tpu.memref_slice %arg2[%dma_wait3A_13, %dma_wait3A_14] : memref<4096x1024xf32, #tpu.memory_space<hbm>> -> memref<4096x1024xf32, #tpu.memory_space<hbm>>
    tpu.wait_indirect_dma semaphore(%arg9 : memref<!tpu.dma_semaphore, #tpu.memory_space<semaphore_mem>>) src(%dma_wait3A_15 : memref<4096x1024xf32, #tpu.memory_space<hbm>>) dst(%arg6 : memref<32x1024xf32, #tpu.memory_space<vmem>>)
    %dma_start3A_16 = arith.constant 64 : i32
    %dma_start3A_17 = tpu.memref_slice %arg5[%dma_start3A_16] : memref<256xi32, #tpu.memory_space<vmem>> -> memref<32xi32, #tpu.memory_space<vmem>>
    %dma_start3A_18 = arith.constant 0 : i32
    %dma_start3A_19 = arith.constant 0 : i32
    %dma_start3A_20 = tpu.memref_slice %arg2[%dma_start3A_18, %dma_start3A_19] : memref<4096x1024xf32, #tpu.memory_space<hbm>> -> memref<4096x1024xf32, #tpu.memory_space<hbm>>
    tpu.enqueue_indirect_dma source(%dma_start3A_20 : memref<4096x1024xf32, #tpu.memory_space<hbm>>) target(%arg8 : memref<32x1024xf32, #tpu.memory_space<vmem>>) offsets(%dma_start3A_17 : memref<32xi32, #tpu.memory_space<vmem>>) semaphore(%arg11 : memref<!tpu.dma_semaphore, #tpu.memory_space<semaphore_mem>>)
    %add3A_21 = arith.constant 0 : i32
    %add3A_22 = arith.addi %mul3A_2, %add3A_21 : i32
    %dma_start3A_23 = arith.constant 0 : i32
    %dma_start3A_24 = tpu.memref_slice %arg4[%add3A_22, %dma_start3A_23] : memref<8192x1024xf32, #tpu.memory_space<hbm>> -> memref<32x1024xf32, #tpu.memory_space<hbm>>
    %dma_start3A_25 = arith.constant 0 : i32
    %dma_start3A_26 = tpu.memref_slice %arg4[%add3A_22, %dma_start3A_25] : memref<8192x1024xf32, #tpu.memory_space<hbm>> -> memref<32x1024xf32, #tpu.memory_space<hbm>>
    tpu.enqueue_dma source(%arg6 : memref<32x1024xf32, #tpu.memory_space<vmem>>) target(%dma_start3A_26 : memref<32x1024xf32, #tpu.memory_space<hbm>>) target_semaphore(%arg12 : memref<!tpu.dma_semaphore, #tpu.memory_space<semaphore_mem>>)
    %dma_wait3A_27 = arith.constant 32 : i32
    %dma_wait3A_28 = tpu.memref_slice %arg5[%dma_wait3A_27] : memref<256xi32, #tpu.memory_space<vmem>> -> memref<32xi32, #tpu.memory_space<vmem>>
    %dma_wait3A_29 = arith.constant 0 : i32
    %dma_wait3A_30 = arith.constant 0 : i32
    %dma_wait3A_31 = tpu.memref_slice %arg2[%dma_wait3A_29, %dma_wait3A_30] : memref<4096x1024xf32, #tpu.memory_space<hbm>> -> memref<4096x1024xf32, #tpu.memory_space<hbm>>
    tpu.wait_indirect_dma semaphore(%arg10 : memref<!tpu.dma_semaphore, #tpu.memory_space<semaphore_mem>>) src(%dma_wait3A_31 : memref<4096x1024xf32, #tpu.memory_space<hbm>>) dst(%arg7 : memref<32x1024xf32, #tpu.memory_space<vmem>>)
    %dma_wait3A_32 = arith.constant 0 : i32
    %dma_wait3A_33 = tpu.memref_slice %arg4[%add3A_22, %dma_wait3A_32] : memref<8192x1024xf32, #tpu.memory_space<hbm>> -> memref<32x1024xf32, #tpu.memory_space<hbm>>
    %dma_wait3A_34 = arith.constant 0 : i32
    %dma_wait3A_35 = tpu.memref_slice %arg4[%add3A_22, %dma_wait3A_34] : memref<8192x1024xf32, #tpu.memory_space<hbm>> -> memref<32x1024xf32, #tpu.memory_space<hbm>>
    tpu.wait_dma2 semaphore(%arg12 : memref<!tpu.dma_semaphore, #tpu.memory_space<semaphore_mem>>) src(%arg6 : memref<32x1024xf32, #tpu.memory_space<vmem>>) dst(%dma_wait3A_35 : memref<32x1024xf32, #tpu.memory_space<hbm>>)
    %dma_start3A_36 = arith.constant 96 : i32
    %dma_start3A_37 = tpu.memref_slice %arg5[%dma_start3A_36] : memref<256xi32, #tpu.memory_space<vmem>> -> memref<32xi32, #tpu.memory_space<vmem>>
    %dma_start3A_38 = arith.constant 0 : i32
    %dma_start3A_39 = arith.constant 0 : i32
    %dma_start3A_40 = tpu.memref_slice %arg2[%dma_start3A_38, %dma_start3A_39] : memref<4096x1024xf32, #tpu.memory_space<hbm>> -> memref<4096x1024xf32, #tpu.memory_space<hbm>>
    tpu.enqueue_indirect_dma source(%dma_start3A_40 : memref<4096x1024xf32, #tpu.memory_space<hbm>>) target(%arg6 : memref<32x1024xf32, #tpu.memory_space<vmem>>) offsets(%dma_start3A_37 : memref<32xi32, #tpu.memory_space<vmem>>) semaphore(%arg9 : memref<!tpu.dma_semaphore, #tpu.memory_space<semaphore_mem>>)
    %add3A_41 = arith.constant 32 : i32
    %add3A_42 = arith.addi %mul3A_2, %add3A_41 : i32
    %dma_start3A_43 = arith.constant 0 : i32
    %dma_start3A_44 = tpu.memref_slice %arg4[%add3A_42, %dma_start3A_43] : memref<8192x1024xf32, #tpu.memory_space<hbm>> -> memref<32x1024xf32, #tpu.memory_space<hbm>>
    %dma_start3A_45 = arith.constant 0 : i32
    %dma_start3A_46 = tpu.memref_slice %arg4[%add3A_42, %dma_start3A_45] : memref<8192x1024xf32, #tpu.memory_space<hbm>> -> memref<32x1024xf32, #tpu.memory_space<hbm>>
    tpu.enqueue_dma source(%arg7 : memref<32x1024xf32, #tpu.memory_space<vmem>>) target(%dma_start3A_46 : memref<32x1024xf32, #tpu.memory_space<hbm>>) target_semaphore(%arg13 : memref<!tpu.dma_semaphore, #tpu.memory_space<semaphore_mem>>)
    %dma_wait3A_47 = arith.constant 64 : i32
    %dma_wait3A_48 = tpu.memref_slice %arg5[%dma_wait3A_47] : memref<256xi32, #tpu.memory_space<vmem>> -> memref<32xi32, #tpu.memory_space<vmem>>
    %dma_wait3A_49 = arith.constant 0 : i32
    %dma_wait3A_50 = arith.constant 0 : i32
    %dma_wait3A_51 = tpu.memref_slice %arg2[%dma_wait3A_49, %dma_wait3A_50] : memref<4096x1024xf32, #tpu.memory_space<hbm>> -> memref<4096x1024xf32, #tpu.memory_space<hbm>>
    tpu.wait_indirect_dma semaphore(%arg11 : memref<!tpu.dma_semaphore, #tpu.memory_space<semaphore_mem>>) src(%dma_wait3A_51 : memref<4096x1024xf32, #tpu.memory_space<hbm>>) dst(%arg8 : memref<32x1024xf32, #tpu.memory_space<vmem>>)
    %dma_wait3A_52 = arith.constant 0 : i32
    %dma_wait3A_53 = tpu.memref_slice %arg4[%add3A_42, %dma_wait3A_52] : memref<8192x1024xf32, #tpu.memory_space<hbm>> -> memref<32x1024xf32, #tpu.memory_space<hbm>>
    %dma_wait3A_54 = arith.constant 0 : i32
    %dma_wait3A_55 = tpu.memref_slice %arg4[%add3A_42, %dma_wait3A_54] : memref<8192x1024xf32, #tpu.memory_space<hbm>> -> memref<32x1024xf32, #tpu.memory_space<hbm>>
    tpu.wait_dma2 semaphore(%arg13 : memref<!tpu.dma_semaphore, #tpu.memory_space<semaphore_mem>>) src(%arg7 : memref<32x1024xf32, #tpu.memory_space<vmem>>) dst(%dma_wait3A_55 : memref<32x1024xf32, #tpu.memory_space<hbm>>)
    %dma_start3A_56 = arith.constant 128 : i32
    %dma_start3A_57 = tpu.memref_slice %arg5[%dma_start3A_56] : memref<256xi32, #tpu.memory_space<vmem>> -> memref<32xi32, #tpu.memory_space<vmem>>
    %dma_start3A_58 = arith.constant 0 : i32
    %dma_start3A_59 = arith.constant 0 : i32
    %dma_start3A_60 = tpu.memref_slice %arg2[%dma_start3A_58, %dma_start3A_59] : memref<4096x1024xf32, #tpu.memory_space<hbm>> -> memref<4096x1024xf32, #tpu.memory_space<hbm>>
    tpu.enqueue_indirect_dma source(%dma_start3A_60 : memref<4096x1024xf32, #tpu.memory_space<hbm>>) target(%arg7 : memref<32x1024xf32, #tpu.memory_space<vmem>>) offsets(%dma_start3A_57 : memref<32xi32, #tpu.memory_space<vmem>>) semaphore(%arg10 : memref<!tpu.dma_semaphore, #tpu.memory_space<semaphore_mem>>)
    %add3A_61 = arith.constant 64 : i32
    %add3A_62 = arith.addi %mul3A_2, %add3A_61 : i32
    %dma_start3A_63 = arith.constant 0 : i32
    %dma_start3A_64 = tpu.memref_slice %arg4[%add3A_62, %dma_start3A_63] : memref<8192x1024xf32, #tpu.memory_space<hbm>> -> memref<32x1024xf32, #tpu.memory_space<hbm>>
    %dma_start3A_65 = arith.constant 0 : i32
    %dma_start3A_66 = tpu.memref_slice %arg4[%add3A_62, %dma_start3A_65] : memref<8192x1024xf32, #tpu.memory_space<hbm>> -> memref<32x1024xf32, #tpu.memory_space<hbm>>
    tpu.enqueue_dma source(%arg8 : memref<32x1024xf32, #tpu.memory_space<vmem>>) target(%dma_start3A_66 : memref<32x1024xf32, #tpu.memory_space<hbm>>) target_semaphore(%arg14 : memref<!tpu.dma_semaphore, #tpu.memory_space<semaphore_mem>>)
    %dma_wait3A_67 = arith.constant 96 : i32
    %dma_wait3A_68 = tpu.memref_slice %arg5[%dma_wait3A_67] : memref<256xi32, #tpu.memory_space<vmem>> -> memref<32xi32, #tpu.memory_space<vmem>>
    %dma_wait3A_69 = arith.constant 0 : i32
    %dma_wait3A_70 = arith.constant 0 : i32
    %dma_wait3A_71 = tpu.memref_slice %arg2[%dma_wait3A_69, %dma_wait3A_70] : memref<4096x1024xf32, #tpu.memory_space<hbm>> -> memref<4096x1024xf32, #tpu.memory_space<hbm>>
    tpu.wait_indirect_dma semaphore(%arg9 : memref<!tpu.dma_semaphore, #tpu.memory_space<semaphore_mem>>) src(%dma_wait3A_71 : memref<4096x1024xf32, #tpu.memory_space<hbm>>) dst(%arg6 : memref<32x1024xf32, #tpu.memory_space<vmem>>)
    %dma_wait3A_72 = arith.constant 0 : i32
    %dma_wait3A_73 = tpu.memref_slice %arg4[%add3A_62, %dma_wait3A_72] : memref<8192x1024xf32, #tpu.memory_space<hbm>> -> memref<32x1024xf32, #tpu.memory_space<hbm>>
    %dma_wait3A_74 = arith.constant 0 : i32
    %dma_wait3A_75 = tpu.memref_slice %arg4[%add3A_62, %dma_wait3A_74] : memref<8192x1024xf32, #tpu.memory_space<hbm>> -> memref<32x1024xf32, #tpu.memory_space<hbm>>
    tpu.wait_dma2 semaphore(%arg14 : memref<!tpu.dma_semaphore, #tpu.memory_space<semaphore_mem>>) src(%arg8 : memref<32x1024xf32, #tpu.memory_space<vmem>>) dst(%dma_wait3A_75 : memref<32x1024xf32, #tpu.memory_space<hbm>>)
    %dma_start3A_76 = arith.constant 160 : i32
    %dma_start3A_77 = tpu.memref_slice %arg5[%dma_start3A_76] : memref<256xi32, #tpu.memory_space<vmem>> -> memref<32xi32, #tpu.memory_space<vmem>>
    %dma_start3A_78 = arith.constant 0 : i32
    %dma_start3A_79 = arith.constant 0 : i32
    %dma_start3A_80 = tpu.memref_slice %arg2[%dma_start3A_78, %dma_start3A_79] : memref<4096x1024xf32, #tpu.memory_space<hbm>> -> memref<4096x1024xf32, #tpu.memory_space<hbm>>
    tpu.enqueue_indirect_dma source(%dma_start3A_80 : memref<4096x1024xf32, #tpu.memory_space<hbm>>) target(%arg8 : memref<32x1024xf32, #tpu.memory_space<vmem>>) offsets(%dma_start3A_77 : memref<32xi32, #tpu.memory_space<vmem>>) semaphore(%arg11 : memref<!tpu.dma_semaphore, #tpu.memory_space<semaphore_mem>>)
    %add3A_81 = arith.constant 96 : i32
    %add3A_82 = arith.addi %mul3A_2, %add3A_81 : i32
    %dma_start3A_83 = arith.constant 0 : i32
    %dma_start3A_84 = tpu.memref_slice %arg4[%add3A_82, %dma_start3A_83] : memref<8192x1024xf32, #tpu.memory_space<hbm>> -> memref<32x1024xf32, #tpu.memory_space<hbm>>
    %dma_start3A_85 = arith.constant 0 : i32
    %dma_start3A_86 = tpu.memref_slice %arg4[%add3A_82, %dma_start3A_85] : memref<8192x1024xf32, #tpu.memory_space<hbm>> -> memref<32x1024xf32, #tpu.memory_space<hbm>>
    tpu.enqueue_dma source(%arg6 : memref<32x1024xf32, #tpu.memory_space<vmem>>) target(%dma_start3A_86 : memref<32x1024xf32, #tpu.memory_space<hbm>>) target_semaphore(%arg12 : memref<!tpu.dma_semaphore, #tpu.memory_space<semaphore_mem>>)
    %dma_wait3A_87 = arith.constant 128 : i32
    %dma_wait3A_88 = tpu.memref_slice %arg5[%dma_wait3A_87] : memref<256xi32, #tpu.memory_space<vmem>> -> memref<32xi32, #tpu.memory_space<vmem>>
    %dma_wait3A_89 = arith.constant 0 : i32
    %dma_wait3A_90 = arith.constant 0 : i32
    %dma_wait3A_91 = tpu.memref_slice %arg2[%dma_wait3A_89, %dma_wait3A_90] : memref<4096x1024xf32, #tpu.memory_space<hbm>> -> memref<4096x1024xf32, #tpu.memory_space<hbm>>
    tpu.wait_indirect_dma semaphore(%arg10 : memref<!tpu.dma_semaphore, #tpu.memory_space<semaphore_mem>>) src(%dma_wait3A_91 : memref<4096x1024xf32, #tpu.memory_space<hbm>>) dst(%arg7 : memref<32x1024xf32, #tpu.memory_space<vmem>>)
    %dma_wait3A_92 = arith.constant 0 : i32
    %dma_wait3A_93 = tpu.memref_slice %arg4[%add3A_82, %dma_wait3A_92] : memref<8192x1024xf32, #tpu.memory_space<hbm>> -> memref<32x1024xf32, #tpu.memory_space<hbm>>
    %dma_wait3A_94 = arith.constant 0 : i32
    %dma_wait3A_95 = tpu.memref_slice %arg4[%add3A_82, %dma_wait3A_94] : memref<8192x1024xf32, #tpu.memory_space<hbm>> -> memref<32x1024xf32, #tpu.memory_space<hbm>>
    tpu.wait_dma2 semaphore(%arg12 : memref<!tpu.dma_semaphore, #tpu.memory_space<semaphore_mem>>) src(%arg6 : memref<32x1024xf32, #tpu.memory_space<vmem>>) dst(%dma_wait3A_95 : memref<32x1024xf32, #tpu.memory_space<hbm>>)
    %dma_start3A_96 = arith.constant 192 : i32
    %dma_start3A_97 = tpu.memref_slice %arg5[%dma_start3A_96] : memref<256xi32, #tpu.memory_space<vmem>> -> memref<32xi32, #tpu.memory_space<vmem>>
    %dma_start3A_98 = arith.constant 0 : i32
    %dma_start3A_99 = arith.constant 0 : i32
    %dma_start3A_100 = tpu.memref_slice %arg2[%dma_start3A_98, %dma_start3A_99] : memref<4096x1024xf32, #tpu.memory_space<hbm>> -> memref<4096x1024xf32, #tpu.memory_space<hbm>>
    tpu.enqueue_indirect_dma source(%dma_start3A_100 : memref<4096x1024xf32, #tpu.memory_space<hbm>>) target(%arg6 : memref<32x1024xf32, #tpu.memory_space<vmem>>) offsets(%dma_start3A_97 : memref<32xi32, #tpu.memory_space<vmem>>) semaphore(%arg9 : memref<!tpu.dma_semaphore, #tpu.memory_space<semaphore_mem>>)
    %add3A_101 = arith.constant 128 : i32
    %add3A_102 = arith.addi %mul3A_2, %add3A_101 : i32
    %dma_start3A_103 = arith.constant 0 : i32
    %dma_start3A_104 = tpu.memref_slice %arg4[%add3A_102, %dma_start3A_103] : memref<8192x1024xf32, #tpu.memory_space<hbm>> -> memref<32x1024xf32, #tpu.memory_space<hbm>>
    %dma_start3A_105 = arith.constant 0 : i32
    %dma_start3A_106 = tpu.memref_slice %arg4[%add3A_102, %dma_start3A_105] : memref<8192x1024xf32, #tpu.memory_space<hbm>> -> memref<32x1024xf32, #tpu.memory_space<hbm>>
    tpu.enqueue_dma source(%arg7 : memref<32x1024xf32, #tpu.memory_space<vmem>>) target(%dma_start3A_106 : memref<32x1024xf32, #tpu.memory_space<hbm>>) target_semaphore(%arg13 : memref<!tpu.dma_semaphore, #tpu.memory_space<semaphore_mem>>)
    %dma_wait3A_107 = arith.constant 160 : i32
    %dma_wait3A_108 = tpu.memref_slice %arg5[%dma_wait3A_107] : memref<256xi32, #tpu.memory_space<vmem>> -> memref<32xi32, #tpu.memory_space<vmem>>
    %dma_wait3A_109 = arith.constant 0 : i32
    %dma_wait3A_110 = arith.constant 0 : i32
    %dma_wait3A_111 = tpu.memref_slice %arg2[%dma_wait3A_109, %dma_wait3A_110] : memref<4096x1024xf32, #tpu.memory_space<hbm>> -> memref<4096x1024xf32, #tpu.memory_space<hbm>>
    tpu.wait_indirect_dma semaphore(%arg11 : memref<!tpu.dma_semaphore, #tpu.memory_space<semaphore_mem>>) src(%dma_wait3A_111 : memref<4096x1024xf32, #tpu.memory_space<hbm>>) dst(%arg8 : memref<32x1024xf32, #tpu.memory_space<vmem>>)
    %dma_wait3A_112 = arith.constant 0 : i32
    %dma_wait3A_113 = tpu.memref_slice %arg4[%add3A_102, %dma_wait3A_112] : memref<8192x1024xf32, #tpu.memory_space<hbm>> -> memref<32x1024xf32, #tpu.memory_space<hbm>>
    %dma_wait3A_114 = arith.constant 0 : i32
    %dma_wait3A_115 = tpu.memref_slice %arg4[%add3A_102, %dma_wait3A_114] : memref<8192x1024xf32, #tpu.memory_space<hbm>> -> memref<32x1024xf32, #tpu.memory_space<hbm>>
    tpu.wait_dma2 semaphore(%arg13 : memref<!tpu.dma_semaphore, #tpu.memory_space<semaphore_mem>>) src(%arg7 : memref<32x1024xf32, #tpu.memory_space<vmem>>) dst(%dma_wait3A_115 : memref<32x1024xf32, #tpu.memory_space<hbm>>)
    %dma_start3A_116 = arith.constant 224 : i32
    %dma_start3A_117 = tpu.memref_slice %arg5[%dma_start3A_116] : memref<256xi32, #tpu.memory_space<vmem>> -> memref<32xi32, #tpu.memory_space<vmem>>
    %dma_start3A_118 = arith.constant 0 : i32
    %dma_start3A_119 = arith.constant 0 : i32
    %dma_start3A_120 = tpu.memref_slice %arg2[%dma_start3A_118, %dma_start3A_119] : memref<4096x1024xf32, #tpu.memory_space<hbm>> -> memref<4096x1024xf32, #tpu.memory_space<hbm>>
    tpu.enqueue_indirect_dma source(%dma_start3A_120 : memref<4096x1024xf32, #tpu.memory_space<hbm>>) target(%arg7 : memref<32x1024xf32, #tpu.memory_space<vmem>>) offsets(%dma_start3A_117 : memref<32xi32, #tpu.memory_space<vmem>>) semaphore(%arg10 : memref<!tpu.dma_semaphore, #tpu.memory_space<semaphore_mem>>)
    %add3A_121 = arith.constant 160 : i32
    %add3A_122 = arith.addi %mul3A_2, %add3A_121 : i32
    %dma_start3A_123 = arith.constant 0 : i32
    %dma_start3A_124 = tpu.memref_slice %arg4[%add3A_122, %dma_start3A_123] : memref<8192x1024xf32, #tpu.memory_space<hbm>> -> memref<32x1024xf32, #tpu.memory_space<hbm>>
    %dma_start3A_125 = arith.constant 0 : i32
    %dma_start3A_126 = tpu.memref_slice %arg4[%add3A_122, %dma_start3A_125] : memref<8192x1024xf32, #tpu.memory_space<hbm>> -> memref<32x1024xf32, #tpu.memory_space<hbm>>
    tpu.enqueue_dma source(%arg8 : memref<32x1024xf32, #tpu.memory_space<vmem>>) target(%dma_start3A_126 : memref<32x1024xf32, #tpu.memory_space<hbm>>) target_semaphore(%arg14 : memref<!tpu.dma_semaphore, #tpu.memory_space<semaphore_mem>>)
    %dma_wait3A_127 = arith.constant 192 : i32
    %dma_wait3A_128 = tpu.memref_slice %arg5[%dma_wait3A_127] : memref<256xi32, #tpu.memory_space<vmem>> -> memref<32xi32, #tpu.memory_space<vmem>>
    %dma_wait3A_129 = arith.constant 0 : i32
    %dma_wait3A_130 = arith.constant 0 : i32
    %dma_wait3A_131 = tpu.memref_slice %arg2[%dma_wait3A_129, %dma_wait3A_130] : memref<4096x1024xf32, #tpu.memory_space<hbm>> -> memref<4096x1024xf32, #tpu.memory_space<hbm>>
    tpu.wait_indirect_dma semaphore(%arg9 : memref<!tpu.dma_semaphore, #tpu.memory_space<semaphore_mem>>) src(%dma_wait3A_131 : memref<4096x1024xf32, #tpu.memory_space<hbm>>) dst(%arg6 : memref<32x1024xf32, #tpu.memory_space<vmem>>)
    %add3A_132 = arith.constant 192 : i32
    %add3A_133 = arith.addi %mul3A_2, %add3A_132 : i32
    %dma_start3A_134 = arith.constant 0 : i32
    %dma_start3A_135 = tpu.memref_slice %arg4[%add3A_133, %dma_start3A_134] : memref<8192x1024xf32, #tpu.memory_space<hbm>> -> memref<32x1024xf32, #tpu.memory_space<hbm>>
    %dma_start3A_136 = arith.constant 0 : i32
    %dma_start3A_137 = tpu.memref_slice %arg4[%add3A_133, %dma_start3A_136] : memref<8192x1024xf32, #tpu.memory_space<hbm>> -> memref<32x1024xf32, #tpu.memory_space<hbm>>
    tpu.enqueue_dma source(%arg6 : memref<32x1024xf32, #tpu.memory_space<vmem>>) target(%dma_start3A_137 : memref<32x1024xf32, #tpu.memory_space<hbm>>) target_semaphore(%arg12 : memref<!tpu.dma_semaphore, #tpu.memory_space<semaphore_mem>>)
    %dma_wait3A_138 = arith.constant 224 : i32
    %dma_wait3A_139 = tpu.memref_slice %arg5[%dma_wait3A_138] : memref<256xi32, #tpu.memory_space<vmem>> -> memref<32xi32, #tpu.memory_space<vmem>>
    %dma_wait3A_140 = arith.constant 0 : i32
    %dma_wait3A_141 = arith.constant 0 : i32
    %dma_wait3A_142 = tpu.memref_slice %arg2[%dma_wait3A_140, %dma_wait3A_141] : memref<4096x1024xf32, #tpu.memory_space<hbm>> -> memref<4096x1024xf32, #tpu.memory_space<hbm>>
    tpu.wait_indirect_dma semaphore(%arg10 : memref<!tpu.dma_semaphore, #tpu.memory_space<semaphore_mem>>) src(%dma_wait3A_142 : memref<4096x1024xf32, #tpu.memory_space<hbm>>) dst(%arg7 : memref<32x1024xf32, #tpu.memory_space<vmem>>)
    %add3A_143 = arith.constant 224 : i32
    %add3A_144 = arith.addi %mul3A_2, %add3A_143 : i32
    %dma_start3A_145 = arith.constant 0 : i32
    %dma_start3A_146 = tpu.memref_slice %arg4[%add3A_144, %dma_start3A_145] : memref<8192x1024xf32, #tpu.memory_space<hbm>> -> memref<32x1024xf32, #tpu.memory_space<hbm>>
    %dma_start3A_147 = arith.constant 0 : i32
    %dma_start3A_148 = tpu.memref_slice %arg4[%add3A_144, %dma_start3A_147] : memref<8192x1024xf32, #tpu.memory_space<hbm>> -> memref<32x1024xf32, #tpu.memory_space<hbm>>
    tpu.enqueue_dma source(%arg7 : memref<32x1024xf32, #tpu.memory_space<vmem>>) target(%dma_start3A_148 : memref<32x1024xf32, #tpu.memory_space<hbm>>) target_semaphore(%arg13 : memref<!tpu.dma_semaphore, #tpu.memory_space<semaphore_mem>>)
    %dma_wait3A_149 = arith.constant 0 : i32
    %dma_wait3A_150 = tpu.memref_slice %arg4[%add3A_122, %dma_wait3A_149] : memref<8192x1024xf32, #tpu.memory_space<hbm>> -> memref<32x1024xf32, #tpu.memory_space<hbm>>
    %dma_wait3A_151 = arith.constant 0 : i32
    %dma_wait3A_152 = tpu.memref_slice %arg4[%add3A_122, %dma_wait3A_151] : memref<8192x1024xf32, #tpu.memory_space<hbm>> -> memref<32x1024xf32, #tpu.memory_space<hbm>>
    tpu.wait_dma2 semaphore(%arg14 : memref<!tpu.dma_semaphore, #tpu.memory_space<semaphore_mem>>) src(%arg8 : memref<32x1024xf32, #tpu.memory_space<vmem>>) dst(%dma_wait3A_152 : memref<32x1024xf32, #tpu.memory_space<hbm>>)
    %dma_wait3A_153 = arith.constant 0 : i32
    %dma_wait3A_154 = tpu.memref_slice %arg4[%add3A_133, %dma_wait3A_153] : memref<8192x1024xf32, #tpu.memory_space<hbm>> -> memref<32x1024xf32, #tpu.memory_space<hbm>>
    %dma_wait3A_155 = arith.constant 0 : i32
    %dma_wait3A_156 = tpu.memref_slice %arg4[%add3A_133, %dma_wait3A_155] : memref<8192x1024xf32, #tpu.memory_space<hbm>> -> memref<32x1024xf32, #tpu.memory_space<hbm>>
    tpu.wait_dma2 semaphore(%arg12 : memref<!tpu.dma_semaphore, #tpu.memory_space<semaphore_mem>>) src(%arg6 : memref<32x1024xf32, #tpu.memory_space<vmem>>) dst(%dma_wait3A_156 : memref<32x1024xf32, #tpu.memory_space<hbm>>)
    %dma_wait3A_157 = arith.constant 0 : i32
    %dma_wait3A_158 = tpu.memref_slice %arg4[%add3A_144, %dma_wait3A_157] : memref<8192x1024xf32, #tpu.memory_space<hbm>> -> memref<32x1024xf32, #tpu.memory_space<hbm>>
    %dma_wait3A_159 = arith.constant 0 : i32
    %dma_wait3A_160 = tpu.memref_slice %arg4[%add3A_144, %dma_wait3A_159] : memref<8192x1024xf32, #tpu.memory_space<hbm>> -> memref<32x1024xf32, #tpu.memory_space<hbm>>
    tpu.wait_dma2 semaphore(%arg13 : memref<!tpu.dma_semaphore, #tpu.memory_space<semaphore_mem>>) src(%arg7 : memref<32x1024xf32, #tpu.memory_space<vmem>>) dst(%dma_wait3A_160 : memref<32x1024xf32, #tpu.memory_space<hbm>>)
    return
  }
}

module attributes {stable_mosaic.version = 14 : i64} {
  func.func @_mm_body(%arg0: i32, %arg1: memref<256x1024xf32, #tpu.memory_space<vmem>>, %arg2: memref<1024x4096xf32, #tpu.memory_space<vmem>>, %arg3: memref<256x1xi32, #tpu.memory_space<vmem>>, %arg4: memref<256x4096xf32, #tpu.memory_space<vmem>>, %arg5: memref<256x1xi32, #tpu.memory_space<vmem>>) attributes {dimension_semantics = [#tpu.dimension_semantics<arbitrary>], iteration_bounds = array<i64: 32>, scalar_prefetch = 0 : i64, scratch_operands = 0 : i64, tpu.core_type = #tpu.core_type<tc>, window_params = [{transform_indices = @transform_0, window_bounds = array<i64: 256, 1024>}, {pipeline_mode = #tpu.pipeline_mode<synchronous>, transform_indices = @transform_1, window_bounds = array<i64: 1024, 4096>}, {transform_indices = @transform_2, window_bounds = array<i64: 256, 1>}, {transform_indices = @transform_3, window_bounds = array<i64: 256, 4096>}, {transform_indices = @transform_4, window_bounds = array<i64: 256, 1>}]} {
    %get3A = arith.constant 0 : index
    %get3A_0 = arith.constant 0 : index
    %get3A_1 = vector.load %arg1[%get3A, %get3A_0] : memref<256x1024xf32, #tpu.memory_space<vmem>>, vector<256x1024xf32>
    %get3A_2 = arith.constant 0 : index
    %get3A_3 = arith.constant 0 : index
    %get3A_4 = vector.load %arg2[%get3A_2, %get3A_3] : memref<1024x4096xf32, #tpu.memory_space<vmem>>, vector<1024x4096xf32>
    %dot_general3A = arith.constant dense<0.000000e+00> : vector<256x4096xf32>
    %dot_general3A_5 = tpu.matmul %get3A_1, %get3A_4, %dot_general3A {dimension_numbers = #tpu.dot_dimension_numbers<[1], [0], [0], [1], [0, 0, 1, 1], [], []>, transpose_lhs_hint = false} : vector<256x1024xf32>, vector<1024x4096xf32>, vector<256x4096xf32> -> vector<256x4096xf32>
    %swap3A = arith.constant 0 : index
    %swap3A_6 = arith.constant 0 : index
    %swap3A_7 = vector.load %arg4[%swap3A, %swap3A_6] : memref<256x4096xf32, #tpu.memory_space<vmem>>, vector<256x4096xf32>
    tpu.vector_store %arg4[%swap3A, %swap3A_6], %dot_general3A_5 {strides = array<i32>} : memref<256x4096xf32, #tpu.memory_space<vmem>>, vector<256x4096xf32>,
    %reduce_max3A = arith.constant dense<0xFF800000> : vector<256xf32>
    %reduce_max3A_8 = vector.multi_reduction <maximumf>, %dot_general3A_5, %reduce_max3A [1] : vector<256x4096xf32> to vector<256xf32>
    %broadcast_in_dim3A = vector.shape_cast %reduce_max3A_8 : vector<256xf32> to vector<256x1xf32>
    %iota3A = tpu.iota {dimensions = array<i32: 1>} : vector<256x4096xi32>
    %eq3A = vector.broadcast %broadcast_in_dim3A : vector<256x1xf32> to vector<256x4096xf32>
    %eq3A_9 = arith.cmpf oeq, %dot_general3A_5, %eq3A : vector<256x4096xf32>
    %convert_element_type3A = arith.extui %eq3A_9 : vector<256x4096xi1> to vector<256x4096xi32>
    %sub3A = arith.constant 1 : i32
    %sub3A_10 = vector.broadcast %sub3A : i32 to vector<256x4096xi32>
    %sub3A_11 = arith.subi %sub3A_10, %convert_element_type3A : vector<256x4096xi32>
    %mul3A = arith.constant 4096 : i32
    %mul3A_12 = vector.broadcast %mul3A : i32 to vector<256x4096xi32>
    %mul3A_13 = arith.muli %sub3A_11, %mul3A_12 : vector<256x4096xi32>
    %add3A = arith.addi %iota3A, %mul3A_13 : vector<256x4096xi32>
    %reduce_min3A = arith.constant dense<2147483647> : vector<256xi32>
    %reduce_min3A_14 = vector.multi_reduction <minsi>, %add3A, %reduce_min3A [1] : vector<256x4096xi32> to vector<256xi32>
    %broadcast_in_dim3A_15 = vector.shape_cast %reduce_min3A_14 : vector<256xi32> to vector<256x1xi32>
    %get3A_16 = arith.constant 0 : index
    %get3A_17 = arith.constant 0 : index
    %get3A_18 = vector.load %arg3[%get3A_16, %get3A_17] : memref<256x1xi32, #tpu.memory_space<vmem>>, vector<256x1xi32>
    %eq3A_19 = arith.constant 3 : i32
    %eq3A_20 = vector.broadcast %eq3A_19 : i32 to vector<256x1xi32>
    %eq3A_21 = arith.cmpi eq, %get3A_18, %eq3A_20 : vector<256x1xi32>
    %convert_element_type3A_22 = arith.extui %eq3A_21 : vector<256x1xi1> to vector<256x1xi32>
    %mul3A_23 = arith.muli %convert_element_type3A_22, %broadcast_in_dim3A_15 : vector<256x1xi32>
    %sub3A_24 = arith.constant 1 : i32
    %sub3A_25 = vector.broadcast %sub3A_24 : i32 to vector<256x1xi32>
    %sub3A_26 = arith.subi %sub3A_25, %convert_element_type3A_22 : vector<256x1xi32>
    %mul3A_27 = arith.muli %sub3A_26, %get3A_18 : vector<256x1xi32>
    %add3A_28 = arith.addi %mul3A_23, %mul3A_27 : vector<256x1xi32>
    %swap3A_29 = arith.constant 0 : index
    %swap3A_30 = arith.constant 0 : index
    %swap3A_31 = vector.load %arg5[%swap3A_29, %swap3A_30] : memref<256x1xi32, #tpu.memory_space<vmem>>, vector<256x1xi32>
    tpu.vector_store %arg5[%swap3A_29, %swap3A_30], %add3A_28 {strides = array<i32>} : memref<256x1xi32, #tpu.memory_space<vmem>>, vector<256x1xi32>,
    return
  }
  func.func @transform_0(%arg0: i32) -> (i32, i32) {
    %c0_i32 = arith.constant 0 : i32
    %c0_i32_0 = arith.constant 0 : i32
    return %arg0, %c0_i32 : i32, i32
  }
  func.func @transform_1(%arg0: i32) -> (i32, i32) {
    %c0_i32 = arith.constant 0 : i32
    %c0_i32_0 = arith.constant 0 : i32
    %c0_i32_1 = arith.constant 0 : i32
    return %c0_i32, %c0_i32_0 : i32, i32
  }
  func.func @transform_2(%arg0: i32) -> (i32, i32) {
    %c0_i32 = arith.constant 0 : i32
    %c0_i32_0 = arith.constant 0 : i32
    return %arg0, %c0_i32 : i32, i32
  }
  func.func @transform_3(%arg0: i32) -> (i32, i32) {
    %c0_i32 = arith.constant 0 : i32
    %c0_i32_0 = arith.constant 0 : i32
    return %arg0, %c0_i32 : i32, i32
  }
  func.func @transform_4(%arg0: i32) -> (i32, i32) {
    %c0_i32 = arith.constant 0 : i32
    %c0_i32_0 = arith.constant 0 : i32
    return %arg0, %c0_i32 : i32, i32
  }
}

module attributes {stable_mosaic.version = 14 : i64} {
  func.func @_edit_body(%arg0: i32, %arg1: memref<1x512x1xi32, #tpu.memory_space<vmem>>, %arg2: memref<1x512x1024xf32, #tpu.memory_space<vmem>>, %arg3: memref<1024x128xf32, #tpu.memory_space<vmem>>, %arg4: memref<1024x128xf32, #tpu.memory_space<vmem>>, %arg5: memref<1x1x2048xi32, #tpu.memory_space<vmem>>) attributes {dimension_semantics = [#tpu.dimension_semantics<arbitrary>], iteration_bounds = array<i64: 4>, scalar_prefetch = 0 : i64, scratch_operands = 0 : i64, tpu.core_type = #tpu.core_type<tc>, window_params = [{transform_indices = @transform_0, window_bounds = array<i64: 1, 512, 1>}, {transform_indices = @transform_1, window_bounds = array<i64: 1, 512, 1024>}, {pipeline_mode = #tpu.pipeline_mode<synchronous>, transform_indices = @transform_2, window_bounds = array<i64: 1024, 128>}, {pipeline_mode = #tpu.pipeline_mode<synchronous>, transform_indices = @transform_3, window_bounds = array<i64: 1024, 128>}, {transform_indices = @transform_4, window_bounds = array<i64: 1, 1, 2048>}]} {
    %get3A = arith.constant 0 : index
    %get3A_0 = arith.constant 0 : index
    %get3A_1 = arith.constant 0 : index
    %get3A_2 = vector.load %arg2[%get3A, %get3A_0, %get3A_1] : memref<1x512x1024xf32, #tpu.memory_space<vmem>>, vector<1x512x1024xf32>
    %get3A_3 = vector.shape_cast %get3A_2 : vector<1x512x1024xf32> to vector<512x1024xf32>
    %get3A_4 = arith.constant 0 : index
    %get3A_5 = arith.constant 0 : index
    %get3A_6 = arith.constant 0 : index
    %get3A_7 = vector.load %arg1[%get3A_4, %get3A_5, %get3A_6] : memref<1x512x1xi32, #tpu.memory_space<vmem>>, vector<1x512x1xi32>
    %get3A_8 = vector.shape_cast %get3A_7 : vector<1x512x1xi32> to vector<512x1xi32>
    %convert_element_type3A = arith.sitofp %get3A_8 : vector<512x1xi32> to vector<512x1xf32>
    %iota3A = tpu.iota {dimensions = array<i32: 0>} : vector<512x512xi32>
    %convert_element_type3A_9 = arith.sitofp %iota3A : vector<512x512xi32> to vector<512x512xf32>
    %iota3A_10 = tpu.iota {dimensions = array<i32: 1>} : vector<512x512xi32>
    %convert_element_type3A_11 = arith.sitofp %iota3A_10 : vector<512x512xi32> to vector<512x512xf32>
    %le3A = arith.cmpf ole, %convert_element_type3A_11, %convert_element_type3A_9 : vector<512x512xf32>
    %convert_element_type3A_12 = arith.extui %le3A : vector<512x512xi1> to vector<512x512xi32>
    %convert_element_type3A_13 = arith.sitofp %convert_element_type3A_12 : vector<512x512xi32> to vector<512x512xf32>
    %get3A_14 = arith.constant 0 : index
    %get3A_15 = arith.constant 0 : index
    %get3A_16 = vector.load %arg3[%get3A_14, %get3A_15] : memref<1024x128xf32, #tpu.memory_space<vmem>>, vector<1024x128xf32>
    %dot_general3A = arith.constant dense<0.000000e+00> : vector<512x128xf32>
    %dot_general3A_17 = tpu.matmul %get3A_3, %get3A_16, %dot_general3A {dimension_numbers = #tpu.dot_dimension_numbers<[1], [0], [0], [1], [0, 0, 1, 1], [], []>, transpose_lhs_hint = false} : vector<512x1024xf32>, vector<1024x128xf32>, vector<512x128xf32> -> vector<512x128xf32>
    %slice3A = vector.extract_strided_slice %dot_general3A_17 {offsets = [0, 1], sizes = [512, 1], strides = [1, 1]} : vector<512x128xf32> to vector<512x1xf32>
    %slice3A_18 = vector.extract_strided_slice %dot_general3A_17 {offsets = [0, 0], sizes = [512, 1], strides = [1, 1]} : vector<512x128xf32> to vector<512x1xf32>
    %gt3A = arith.cmpf ogt, %slice3A, %slice3A_18 : vector<512x1xf32>
    %convert_element_type3A_19 = arith.extui %gt3A : vector<512x1xi1> to vector<512x1xi32>
    %convert_element_type3A_20 = arith.sitofp %convert_element_type3A_19 : vector<512x1xi32> to vector<512x1xf32>
    %ne3A = arith.constant 1.000000e+00 : f32
    %ne3A_21 = vector.broadcast %ne3A : f32 to vector<512x1xf32>
    %ne3A_22 = arith.cmpf one, %convert_element_type3A, %ne3A_21 : vector<512x1xf32>
    %convert_element_type3A_23 = arith.extui %ne3A_22 : vector<512x1xi1> to vector<512x1xi32>
    %convert_element_type3A_24 = arith.sitofp %convert_element_type3A_23 : vector<512x1xi32> to vector<512x1xf32>
    %eq3A = arith.constant 0.000000e+00 : f32
    %eq3A_25 = vector.broadcast %eq3A : f32 to vector<512x1xf32>
    %eq3A_26 = arith.cmpf oeq, %convert_element_type3A, %eq3A_25 : vector<512x1xf32>
    %convert_element_type3A_27 = arith.extui %eq3A_26 : vector<512x1xi1> to vector<512x1xi32>
    %convert_element_type3A_28 = arith.sitofp %convert_element_type3A_27 : vector<512x1xi32> to vector<512x1xf32>
    %eq3A_29 = arith.constant 2.000000e+00 : f32
    %eq3A_30 = vector.broadcast %eq3A_29 : f32 to vector<512x1xf32>
    %eq3A_31 = arith.cmpf oeq, %convert_element_type3A, %eq3A_30 : vector<512x1xf32>
    %convert_element_type3A_32 = arith.extui %eq3A_31 : vector<512x1xi1> to vector<512x1xi32>
    %convert_element_type3A_33 = arith.sitofp %convert_element_type3A_32 : vector<512x1xi32> to vector<512x1xf32>
    %add3A = arith.addf %convert_element_type3A_28, %convert_element_type3A_33 : vector<512x1xf32>
    %mul3A = arith.mulf %convert_element_type3A_24, %convert_element_type3A_20 : vector<512x1xf32>
    %sub3A = arith.constant 1.000000e+00 : f32
    %sub3A_34 = vector.broadcast %sub3A : f32 to vector<512x1xf32>
    %sub3A_35 = arith.subf %sub3A_34, %convert_element_type3A_24 : vector<512x1xf32>
    %add3A_36 = arith.addf %mul3A, %sub3A_35 : vector<512x1xf32>
    %sub3A_37 = arith.constant 1.000000e+00 : f32
    %sub3A_38 = vector.broadcast %sub3A_37 : f32 to vector<512x1xf32>
    %sub3A_39 = arith.subf %sub3A_38, %add3A : vector<512x1xf32>
    %mul3A_40 = arith.mulf %add3A_36, %sub3A_39 : vector<512x1xf32>
    %sub3A_41 = arith.constant 1.000000e+00 : f32
    %sub3A_42 = vector.broadcast %sub3A_41 : f32 to vector<512x1xf32>
    %sub3A_43 = arith.subf %sub3A_42, %mul3A_40 : vector<512x1xf32>
    %dot_general3A_44 = arith.constant dense<0.000000e+00> : vector<512x1xf32>
    %dot_general3A_45 = tpu.matmul %convert_element_type3A_13, %sub3A_43, %dot_general3A_44 {dimension_numbers = #tpu.dot_dimension_numbers<[1], [0], [0], [1], [0, 0, 1, 1], [], []>, transpose_lhs_hint = false} : vector<512x512xf32>, vector<512x1xf32>, vector<512x1xf32> -> vector<512x1xf32>
    %sub3A_46 = arith.constant 1.000000e+00 : f32
    %sub3A_47 = vector.broadcast %sub3A_46 : f32 to vector<512x1xf32>
    %sub3A_48 = arith.subf %dot_general3A_45, %sub3A_47 : vector<512x1xf32>
    %eq3A_49 = vector.broadcast %sub3A_48 : vector<512x1xf32> to vector<512x512xf32>
    %eq3A_50 = arith.cmpf oeq, %eq3A_49, %convert_element_type3A_11 : vector<512x512xf32>
    %convert_element_type3A_51 = arith.extui %eq3A_50 : vector<512x512xi1> to vector<512x512xi32>
    %convert_element_type3A_52 = arith.sitofp %convert_element_type3A_51 : vector<512x512xi32> to vector<512x512xf32>
    %mul3A_53 = vector.broadcast %sub3A_43 : vector<512x1xf32> to vector<512x512xf32>
    %mul3A_54 = arith.mulf %convert_element_type3A_52, %mul3A_53 : vector<512x512xf32>
    %reduce_sum3A = arith.constant dense<0.000000e+00> : vector<512xf32>
    %reduce_sum3A_55 = vector.multi_reduction <add>, %mul3A_54, %reduce_sum3A [0] : vector<512x512xf32> to vector<512xf32>
    %broadcast_in_dim3A = vector.shape_cast %reduce_sum3A_55 : vector<512xf32> to vector<1x512xf32>
    %mul3A_56 = vector.broadcast %convert_element_type3A : vector<512x1xf32> to vector<512x512xf32>
    %mul3A_57 = arith.mulf %mul3A_54, %mul3A_56 : vector<512x512xf32>
    %reduce_sum3A_58 = arith.constant dense<0.000000e+00> : vector<512xf32>
    %reduce_sum3A_59 = vector.multi_reduction <add>, %mul3A_57, %reduce_sum3A_58 [0] : vector<512x512xf32> to vector<512xf32>
    %broadcast_in_dim3A_60 = vector.shape_cast %reduce_sum3A_59 : vector<512xf32> to vector<1x512xf32>
    %sub3A_61 = arith.constant 1.000000e+00 : f32
    %sub3A_62 = vector.broadcast %sub3A_61 : f32 to vector<1x512xf32>
    %sub3A_63 = arith.subf %sub3A_62, %broadcast_in_dim3A : vector<1x512xf32>
    %mul3A_64 = arith.constant 1.000000e+00 : f32
    %mul3A_65 = vector.broadcast %mul3A_64 : f32 to vector<1x512xf32>
    %mul3A_66 = arith.mulf %sub3A_63, %mul3A_65 : vector<1x512xf32>
    %add3A_67 = arith.addf %broadcast_in_dim3A_60, %mul3A_66 : vector<1x512xf32>
    %iota3A_68 = tpu.iota {dimensions = array<i32: 0>} : vector<512x512xi32>
    %iota3A_69 = tpu.iota {dimensions = array<i32: 1>} : vector<512x512xi32>
    %eq3A_70 = arith.cmpi eq, %iota3A_68, %iota3A_69 : vector<512x512xi32>
    %convert_element_type3A_71 = arith.extui %eq3A_70 : vector<512x512xi1> to vector<512x512xi32>
    %convert_element_type3A_72 = arith.sitofp %convert_element_type3A_71 : vector<512x512xi32> to vector<512x512xf32>
    %mul3A_73 = vector.broadcast %add3A_67 : vector<1x512xf32> to vector<512x512xf32>
    %mul3A_74 = arith.mulf %convert_element_type3A_72, %mul3A_73 : vector<512x512xf32>
    %broadcast_in_dim3A_75 = arith.constant 1.000000e+00 : f32
    %broadcast_in_dim3A_76 = vector.broadcast %broadcast_in_dim3A_75 : f32 to vector<512x1xf32>
    %dot_general3A_77 = arith.constant dense<0.000000e+00> : vector<512x1xf32>
    %dot_general3A_78 = tpu.matmul %mul3A_74, %broadcast_in_dim3A_76, %dot_general3A_77 {dimension_numbers = #tpu.dot_dimension_numbers<[1], [0], [0], [1], [0, 0, 1, 1], [], []>, transpose_lhs_hint = false} : vector<512x512xf32>, vector<512x1xf32>, vector<512x1xf32> -> vector<512x1xf32>
    %get3A_79 = arith.constant 0 : index
    %get3A_80 = arith.constant 0 : index
    %get3A_81 = vector.load %arg4[%get3A_79, %get3A_80] : memref<1024x128xf32, #tpu.memory_space<vmem>>, vector<1024x128xf32>
    %dot_general3A_82 = arith.constant dense<0.000000e+00> : vector<512x128xf32>
    %dot_general3A_83 = tpu.matmul %get3A_3, %get3A_81, %dot_general3A_82 {dimension_numbers = #tpu.dot_dimension_numbers<[1], [0], [0], [1], [0, 0, 1, 1], [], []>, transpose_lhs_hint = false} : vector<512x1024xf32>, vector<1024x128xf32>, vector<512x128xf32> -> vector<512x128xf32>
    %slice3A_84 = vector.extract_strided_slice %dot_general3A_83 {offsets = [0, 0], sizes = [512, 1], strides = [1, 1]} : vector<512x128xf32> to vector<512x1xf32>
    %broadcast_in_dim3A_85 = arith.constant 0.000000e+00 : f32
    %broadcast_in_dim3A_86 = vector.broadcast %broadcast_in_dim3A_85 : f32 to vector<512x1xf32>
    %slice3A_87 = vector.extract_strided_slice %dot_general3A_83 {offsets = [0, 1], sizes = [512, 1], strides = [1, 1]} : vector<512x128xf32> to vector<512x1xf32>
    %gt3A_88 = arith.cmpf ogt, %slice3A_87, %slice3A_84 : vector<512x1xf32>
    %convert_element_type3A_89 = arith.extui %gt3A_88 : vector<512x1xi1> to vector<512x1xi32>
    %convert_element_type3A_90 = arith.sitofp %convert_element_type3A_89 : vector<512x1xi32> to vector<512x1xf32>
    %mul3A_91 = arith.constant 1.000000e+00 : f32
    %mul3A_92 = vector.broadcast %mul3A_91 : f32 to vector<512x1xf32>
    %mul3A_93 = arith.mulf %convert_element_type3A_90, %mul3A_92 : vector<512x1xf32>
    %sub3A_94 = arith.constant 1.000000e+00 : f32
    %sub3A_95 = vector.broadcast %sub3A_94 : f32 to vector<512x1xf32>
    %sub3A_96 = arith.subf %sub3A_95, %convert_element_type3A_90 : vector<512x1xf32>
    %mul3A_97 = arith.mulf %sub3A_96, %broadcast_in_dim3A_86 : vector<512x1xf32>
    %add3A_98 = arith.addf %mul3A_93, %mul3A_97 : vector<512x1xf32>
    %max3A = arith.maximumf %slice3A_84, %slice3A_87 : vector<512x1xf32>
    %slice3A_99 = vector.extract_strided_slice %dot_general3A_83 {offsets = [0, 2], sizes = [512, 1], strides = [1, 1]} : vector<512x128xf32> to vector<512x1xf32>
    %gt3A_100 = arith.cmpf ogt, %slice3A_99, %max3A : vector<512x1xf32>
    %convert_element_type3A_101 = arith.extui %gt3A_100 : vector<512x1xi1> to vector<512x1xi32>
    %convert_element_type3A_102 = arith.sitofp %convert_element_type3A_101 : vector<512x1xi32> to vector<512x1xf32>
    %mul3A_103 = arith.constant 2.000000e+00 : f32
    %mul3A_104 = vector.broadcast %mul3A_103 : f32 to vector<512x1xf32>
    %mul3A_105 = arith.mulf %convert_element_type3A_102, %mul3A_104 : vector<512x1xf32>
    %sub3A_106 = arith.constant 1.000000e+00 : f32
    %sub3A_107 = vector.broadcast %sub3A_106 : f32 to vector<512x1xf32>
    %sub3A_108 = arith.subf %sub3A_107, %convert_element_type3A_102 : vector<512x1xf32>
    %mul3A_109 = arith.mulf %sub3A_108, %add3A_98 : vector<512x1xf32>
    %add3A_110 = arith.addf %mul3A_105, %mul3A_109 : vector<512x1xf32>
    %max3A_111 = arith.maximumf %max3A, %slice3A_99 : vector<512x1xf32>
    %slice3A_112 = vector.extract_strided_slice %dot_general3A_83 {offsets = [0, 3], sizes = [512, 1], strides = [1, 1]} : vector<512x128xf32> to vector<512x1xf32>
    %gt3A_113 = arith.cmpf ogt, %slice3A_112, %max3A_111 : vector<512x1xf32>
    %convert_element_type3A_114 = arith.extui %gt3A_113 : vector<512x1xi1> to vector<512x1xi32>
    %convert_element_type3A_115 = arith.sitofp %convert_element_type3A_114 : vector<512x1xi32> to vector<512x1xf32>
    %mul3A_116 = arith.constant 3.000000e+00 : f32
    %mul3A_117 = vector.broadcast %mul3A_116 : f32 to vector<512x1xf32>
    %mul3A_118 = arith.mulf %convert_element_type3A_115, %mul3A_117 : vector<512x1xf32>
    %sub3A_119 = arith.constant 1.000000e+00 : f32
    %sub3A_120 = vector.broadcast %sub3A_119 : f32 to vector<512x1xf32>
    %sub3A_121 = arith.subf %sub3A_120, %convert_element_type3A_115 : vector<512x1xf32>
    %mul3A_122 = arith.mulf %sub3A_121, %add3A_110 : vector<512x1xf32>
    %add3A_123 = arith.addf %mul3A_118, %mul3A_122 : vector<512x1xf32>
    %ne3A_124 = arith.constant 1.000000e+00 : f32
    %ne3A_125 = vector.broadcast %ne3A_124 : f32 to vector<512x1xf32>
    %ne3A_126 = arith.cmpf one, %dot_general3A_78, %ne3A_125 : vector<512x1xf32>
    %convert_element_type3A_127 = arith.extui %ne3A_126 : vector<512x1xi1> to vector<512x1xi32>
    %convert_element_type3A_128 = arith.sitofp %convert_element_type3A_127 : vector<512x1xi32> to vector<512x1xf32>
    %mul3A_129 = arith.mulf %convert_element_type3A_128, %dot_general3A_78 : vector<512x1xf32>
    %sub3A_130 = arith.constant 1.000000e+00 : f32
    %sub3A_131 = vector.broadcast %sub3A_130 : f32 to vector<512x1xf32>
    %sub3A_132 = arith.subf %sub3A_131, %convert_element_type3A_128 : vector<512x1xf32>
    %mul3A_133 = arith.constant 2.000000e+00 : f32
    %mul3A_134 = vector.broadcast %mul3A_133 : f32 to vector<512x1xf32>
    %mul3A_135 = arith.mulf %sub3A_132, %mul3A_134 : vector<512x1xf32>
    %add3A_136 = arith.addf %mul3A_129, %mul3A_135 : vector<512x1xf32>
    %reduce_sum3A_137 = vector.shape_cast %convert_element_type3A_128 : vector<512x1xf32> to vector<1x512x1xf32>
    %reduce_sum3A_138 = arith.constant dense<0.000000e+00> : vector<1xf32>
    %reduce_sum3A_139 = vector.multi_reduction <add>, %reduce_sum3A_137, %reduce_sum3A_138 [1, 2] : vector<1x512x1xf32> to vector<1xf32>
    %reduce_sum3A_140 = vector.shape_cast %reduce_sum3A_139 : vector<1xf32> to vector<1x1x1xf32>
    %reduce_sum3A_141 = vector.extract %reduce_sum3A_140[0, 0, 0] : f32 from vector<1x1x1xf32>
    %broadcast_in_dim3A_142 = arith.constant 0.000000e+00 : f32
    %broadcast_in_dim3A_143 = vector.broadcast %broadcast_in_dim3A_142 : f32 to vector<1x1xf32>
    %slice3A_144 = vector.extract_strided_slice %convert_element_type3A_128 {offsets = [1, 0], sizes = [511, 1], strides = [1, 1]} : vector<512x1xf32> to vector<511x1xf32>
    %concatenate3A = tpu.concatenate %slice3A_144, %broadcast_in_dim3A_143 in 0 : vector<511x1xf32>, vector<1x1xf32> -> vector<512x1xf32>
    %slice3A_145 = vector.extract_strided_slice %add3A_136 {offsets = [1, 0], sizes = [511, 1], strides = [1, 1]} : vector<512x1xf32> to vector<511x1xf32>
    %concatenate3A_146 = tpu.concatenate %slice3A_145, %broadcast_in_dim3A_143 in 0 : vector<511x1xf32>, vector<1x1xf32> -> vector<512x1xf32>
    %mul3A_147 = arith.mulf %add3A_123, %concatenate3A : vector<512x1xf32>
    %add3A_148 = arith.addf %mul3A_147, %concatenate3A : vector<512x1xf32>
    %reduce_sum3A_149 = vector.shape_cast %mul3A_147 : vector<512x1xf32> to vector<1x512x1xf32>
    %reduce_sum3A_150 = arith.constant dense<0.000000e+00> : vector<1xf32>
    %reduce_sum3A_151 = vector.multi_reduction <add>, %reduce_sum3A_149, %reduce_sum3A_150 [1, 2] : vector<1x512x1xf32> to vector<1xf32>
    %reduce_sum3A_152 = vector.shape_cast %reduce_sum3A_151 : vector<1xf32> to vector<1x1x1xf32>
    %reduce_sum3A_153 = vector.extract %reduce_sum3A_152[0, 0, 0] : f32 from vector<1x1x1xf32>
    %add3A_154 = arith.addf %reduce_sum3A_141, %reduce_sum3A_153 : f32
    %dot_general3A_155 = arith.constant dense<0.000000e+00> : vector<512x1xf32>
    %dot_general3A_156 = tpu.matmul %convert_element_type3A_13, %add3A_148, %dot_general3A_155 {dimension_numbers = #tpu.dot_dimension_numbers<[1], [0], [0], [1], [0, 0, 1, 1], [], []>, transpose_lhs_hint = false} : vector<512x512xf32>, vector<512x1xf32>, vector<512x1xf32> -> vector<512x1xf32>
    %iota3A_157 = tpu.iota {dimensions = array<i32: 1>} : vector<512x2048xi32>
    %convert_element_type3A_158 = arith.sitofp %iota3A_157 : vector<512x2048xi32> to vector<512x2048xf32>
    %eq3A_159 = vector.broadcast %dot_general3A_156 : vector<512x1xf32> to vector<512x2048xf32>
    %eq3A_160 = arith.cmpf oeq, %eq3A_159, %convert_element_type3A_158 : vector<512x2048xf32>
    %convert_element_type3A_161 = arith.extui %eq3A_160 : vector<512x2048xi1> to vector<512x2048xi32>
    %convert_element_type3A_162 = arith.sitofp %convert_element_type3A_161 : vector<512x2048xi32> to vector<512x2048xf32>
    %mul3A_163 = vector.broadcast %concatenate3A : vector<512x1xf32> to vector<512x2048xf32>
    %mul3A_164 = arith.mulf %convert_element_type3A_162, %mul3A_163 : vector<512x2048xf32>
    %mul3A_165 = vector.broadcast %concatenate3A_146 : vector<512x1xf32> to vector<512x2048xf32>
    %mul3A_166 = arith.mulf %mul3A_164, %mul3A_165 : vector<512x2048xf32>
    %reduce_sum3A_167 = arith.constant dense<0.000000e+00> : vector<2048xf32>
    %reduce_sum3A_168 = vector.multi_reduction <add>, %mul3A_166, %reduce_sum3A_167 [0] : vector<512x2048xf32> to vector<2048xf32>
    %broadcast_in_dim3A_169 = vector.shape_cast %reduce_sum3A_168 : vector<2048xf32> to vector<1x2048xf32>
    %reduce_sum3A_170 = arith.constant dense<0.000000e+00> : vector<2048xf32>
    %reduce_sum3A_171 = vector.multi_reduction <add>, %mul3A_164, %reduce_sum3A_170 [0] : vector<512x2048xf32> to vector<2048xf32>
    %broadcast_in_dim3A_172 = vector.shape_cast %reduce_sum3A_171 : vector<2048xf32> to vector<1x2048xf32>
    %iota3A_173 = tpu.iota {dimensions = array<i32: 1>} : vector<1x2048xi32>
    %convert_element_type3A_174 = arith.sitofp %iota3A_173 : vector<1x2048xi32> to vector<1x2048xf32>
    %lt3A = vector.broadcast %add3A_154 : f32 to vector<1x2048xf32>
    %lt3A_175 = arith.cmpf olt, %convert_element_type3A_174, %lt3A : vector<1x2048xf32>
    %convert_element_type3A_176 = arith.extui %lt3A_175 : vector<1x2048xi1> to vector<1x2048xi32>
    %convert_element_type3A_177 = arith.sitofp %convert_element_type3A_176 : vector<1x2048xi32> to vector<1x2048xf32>
    %eq3A_178 = arith.constant 0.000000e+00 : f32
    %eq3A_179 = vector.broadcast %eq3A_178 : f32 to vector<1x2048xf32>
    %eq3A_180 = arith.cmpf oeq, %convert_element_type3A_174, %eq3A_179 : vector<1x2048xf32>
    %convert_element_type3A_181 = arith.extui %eq3A_180 : vector<1x2048xi1> to vector<1x2048xi32>
    %convert_element_type3A_182 = arith.sitofp %convert_element_type3A_181 : vector<1x2048xi32> to vector<1x2048xf32>
    %mul3A_183 = arith.constant 0.000000e+00 : f32
    %mul3A_184 = vector.broadcast %mul3A_183 : f32 to vector<1x2048xf32>
    %mul3A_185 = arith.mulf %convert_element_type3A_182, %mul3A_184 : vector<1x2048xf32>
    %sub3A_186 = arith.constant 1.000000e+00 : f32
    %sub3A_187 = vector.broadcast %sub3A_186 : f32 to vector<1x2048xf32>
    %sub3A_188 = arith.subf %sub3A_187, %convert_element_type3A_182 : vector<1x2048xf32>
    %mul3A_189 = arith.constant 3.000000e+00 : f32
    %mul3A_190 = vector.broadcast %mul3A_189 : f32 to vector<1x2048xf32>
    %mul3A_191 = arith.mulf %convert_element_type3A_177, %mul3A_190 : vector<1x2048xf32>
    %sub3A_192 = arith.constant 1.000000e+00 : f32
    %sub3A_193 = vector.broadcast %sub3A_192 : f32 to vector<1x2048xf32>
    %sub3A_194 = arith.subf %sub3A_193, %convert_element_type3A_177 : vector<1x2048xf32>
    %mul3A_195 = arith.constant 1.000000e+00 : f32
    %mul3A_196 = vector.broadcast %mul3A_195 : f32 to vector<1x2048xf32>
    %mul3A_197 = arith.mulf %sub3A_194, %mul3A_196 : vector<1x2048xf32>
    %add3A_198 = arith.addf %mul3A_191, %mul3A_197 : vector<1x2048xf32>
    %mul3A_199 = arith.mulf %sub3A_188, %add3A_198 : vector<1x2048xf32>
    %add3A_200 = arith.addf %mul3A_185, %mul3A_199 : vector<1x2048xf32>
    %sub3A_201 = arith.constant 1.000000e+00 : f32
    %sub3A_202 = vector.broadcast %sub3A_201 : f32 to vector<1x2048xf32>
    %sub3A_203 = arith.subf %sub3A_202, %broadcast_in_dim3A_172 : vector<1x2048xf32>
    %mul3A_204 = arith.mulf %sub3A_203, %add3A_200 : vector<1x2048xf32>
    %add3A_205 = arith.addf %broadcast_in_dim3A_169, %mul3A_204 : vector<1x2048xf32>
    %convert_element_type3A_206 = arith.fptosi %add3A_205 : vector<1x2048xf32> to vector<1x2048xi32>
    %reshape3A = vector.shape_cast %convert_element_type3A_206 : vector<1x2048xi32> to vector<1x1x2048xi32>
    %swap3A = arith.constant 0 : index
    %swap3A_207 = arith.constant 0 : index
    %swap3A_208 = arith.constant 0 : index
    %swap3A_209 = vector.load %arg5[%swap3A, %swap3A_207, %swap3A_208] : memref<1x1x2048xi32, #tpu.memory_space<vmem>>, vector<1x1x2048xi32>
    tpu.vector_store %arg5[%swap3A, %swap3A_207, %swap3A_208], %reshape3A {strides = array<i32>} : memref<1x1x2048xi32, #tpu.memory_space<vmem>>, vector<1x1x2048xi32>,
    return
  }
  func.func @transform_0(%arg0: i32) -> (i32, i32, i32) {
    %c0_i32 = arith.constant 0 : i32
    %c0_i32_0 = arith.constant 0 : i32
    %c0_i32_1 = arith.constant 0 : i32
    return %arg0, %c0_i32, %c0_i32_0 : i32, i32, i32
  }
  func.func @transform_1(%arg0: i32) -> (i32, i32, i32) {
    %c0_i32 = arith.constant 0 : i32
    %c0_i32_0 = arith.constant 0 : i32
    %c0_i32_1 = arith.constant 0 : i32
    return %arg0, %c0_i32, %c0_i32_0 : i32, i32, i32
  }
  func.func @transform_2(%arg0: i32) -> (i32, i32) {
    %c0_i32 = arith.constant 0 : i32
    %c0_i32_0 = arith.constant 0 : i32
    %c0_i32_1 = arith.constant 0 : i32
    return %c0_i32, %c0_i32_0 : i32, i32
  }
  func.func @transform_3(%arg0: i32) -> (i32, i32) {
    %c0_i32 = arith.constant 0 : i32
    %c0_i32_0 = arith.constant 0 : i32
    %c0_i32_1 = arith.constant 0 : i32
    return %c0_i32, %c0_i32_0 : i32, i32
  }
  func.func @transform_4(%arg0: i32) -> (i32, i32, i32) {
    %c0_i32 = arith.constant 0 : i32
    %c0_i32_0 = arith.constant 0 : i32
    %c0_i32_1 = arith.constant 0 : i32
    return %arg0, %c0_i32, %c0_i32_0 : i32, i32, i32
  }
}

</mosaic_0001>

<sc_bundles>
// kernel: kernel.5.cloned.1.call-start
scs
__scs_entry_jumppad:
0x0: {  	(pc) =	sbr.rel $0x88, $3  }
0x1: {  	(tag) =	ssettag $0x0;
	lr =	simm.s32 $0x1  }
0x2: {  	[smem:$0x3F9B] =	sst lr;
	_ =	strace $0xD0000000  }
0x3: {  	_ = 	snop  }
0x4: {  	_ = 	snop  }
0x5: {  	_ = 	snop  }
0x6: {  	_ = 	snop  }
0x7: {  	_ = 	snop  }
__scs_overlays_trampoline_lowered:
0x8: {  	[smem:$0x3FAA] =	sst s0  }
0x9: {  	[smem:$0x3FAB] =	sst s1  }
0xa: {  	[smem:$0x3FAC] =	sst s2  }
0xb: {  	[smem:$0x3FAD] =	sst s3  }
0xc: {  	[smem:$0x3FAE] =	sst s4  }
0xd: {  	[smem:$0x3FAF] =	sst s5  }
0xe: {  	[smem:$0x3FB0] =	sst s6  }
0xf: {  	[smem:$0x3FB1] =	sst s7  }
0x10: {  	[smem:$0x3FB2] =	sst s8  }
0x11: {  	[smem:$0x3FB3] =	sst s9;
	s0 =	simm.s32 @!p0 $0x0  }
0x12: {  	s1 =	sld [smem:$0x3F99];
	s0 =	simm.s32 @p0 $0x1  }
0x13: {  	[smem:$0x3FB4] =	sst s0;
	s0 =	simm.s32 @!p1 $0x0  }
0x14: {  	s2 =	sld [smem:$0x3F98];
	s0 =	simm.s32 @p1 $0x1  }
0x15: {  	[smem:$0x3FB5] =	sst s0;
	s0 =	simm.s32 @!p2 $0x0  }
0x16: {  	s3 =	sld [smem:$0x3FDB];
	s0 =	simm.s32 @p2 $0x1  }
0x17: {  	s4 =	simm.s32 $0x1BF5;
	[smem:$0x3FB7] =	sst s0  }
0x18: {  	s0 =	sld [smem:$0x3F9A];
	_ =	swait.ge [sflag:s4], $0x0  }
0x19: {  	s7 =	sld [smem:$0x3F9B]  }
0x1a: {  	s8 =	sadd.s32 $0xFFFFE003, lr  }
0x1b: {  	s9 =	sadd.s32 $0xFFFFFEF7, lr;
	s5 =	simm.s32 $0xFFFFFFFF;
	p2 =	slt.u32 s8, $0xFFFFF086  }
0x1c: {  	p1 =	slt.u32 s9, $0xF7A;
	s5 =	simm.s32 @!p2 $0x0  }
0x1d: {  	s5 =	simm.s32 @p1 $0x1;
	p0 =	seq.s32 s7, s2  }
0x1e: {  	s7 =	smul.u32 @!p0 $0xF7A, s2;
	p2 =	seq.s32 @!p0 s5, $0x0  }
0x1f: {  	s9 =	smul.u32 $0xF7A, s1;
	s8 =	simm.s32 @!p0 $0x1BF5;
	p2 =	por !p2, p0  }
0x20: {  	[sflag:s8] =	ssyncset.s32 @!p0 $0xFFFFF086;
	s6 =	sadd.s32 @!p0 s3, s7;
	s7 =	simm.s32 @!p0 $0x108  }
0x21: {  	s3 =	sadd.s32 s3, s9;
	s6 =	sadd.s32 @!p0 $0x88, s6;
	s7 =	simm.s32 @p2 $0x1082  }
0x22: {  	[simem:s7], [sflag:s8] =	dma.local @!p0 [hbm:s6], $0xF7A  }
0x23: {  	s9 =	sor.u32 $0xD0000000, s2;
	s6 =	simm.s32 $0x108;
	_ =	swait.ge @!p0 [sflag:s8], $0x0  }
0x24: {  	s3 =	sadd.s32 $0x88, s3;
	s6 =	simm.s32 @!p1 $0x1082;
	[sflag:s4] =	ssyncset.s32 $0xFFFFF086  }
0x25: {  	[simem:s6], [sflag:s4] =	dma.local [hbm:s3], $0xF7A  }
0x26: {  	[smem:$0x3F9B] =	sst s1;
	(tag) =	ssettag s2;
	_ =	strace s9  }
0x27: {  	s1 =	sld [smem:$0x3FAB]  }
0x28: {  	s2 =	sld [smem:$0x3FAC]  }
0x29: {  	s4 =	sld [smem:$0x3FAE]  }
0x2a: {  	p0 =	seq.s32 s5, $0x0;
	s5 =	sld [smem:$0x3FAF]  }
0x2b: {  	s6 =	sld [smem:$0x3FB0]  }
0x2c: {  	s7 =	sld [smem:$0x3FB1]  }
0x2d: {  	s3 =	simm.s32 $0x108;
	s8 =	sld [smem:$0x3FB2]  }
0x2e: {  	s3 =	simm.s32 @!p0 $0x1082;
	s9 =	sld [smem:$0x3FB3]  }
0x2f: {  	lr =	sadd.s32 s0, s3;
	s0 =	sld [smem:$0x3FAA]  }
0x30: {  	s3 =	sld [smem:$0x3FAD]  }
0x31: {  	[smem:$0x3FB6] =	sst s10  }
0x32: {  	s10 =	sld [smem:$0x3FB4];
	_ =	sdelay $0x3  }
0x33: {  	p0 =	seq.s32 s10, $0x1;
	s10 =	sld [smem:$0x3FB6];
	_ =	sdelay $0x3  }
0x34: {  	[smem:$0x3FB6] =	sst s10  }
0x35: {  	s10 =	sld [smem:$0x3FB5];
	_ =	sdelay $0x3  }
0x36: {  	p1 =	seq.s32 s10, $0x1;
	s10 =	sld [smem:$0x3FB6];
	_ =	sdelay $0x3  }
0x37: {  	[smem:$0x3FB6] =	sst s10  }
0x38: {  	s10 =	sld [smem:$0x3FB7]  }
0x39: {  	_ = 	snop;
	(pc) =	sbr.ind lr, $3  }
0x3a: {  	_ = 	snop  }
0x3b: {  	_ = 	snop  }
0x3c: {  	p2 =	seq.s32 s10, $0x1;
	s10 =	sld [smem:$0x3FB6]  }
0x3d: {  	_ =	shalt  }
0x3e: {  	_ =	shalt  }
0x3f: {  	_ =	shalt  }
0x40: {  	_ =	shalt  }
0x41: {  	_ =	shalt  }
0x42: {  	_ =	shalt  }
0x43: {  	_ =	shalt  }
0x44: {  	_ =	shalt  }
0x45: {  	_ =	shalt  }
0x46: {  	_ =	shalt  }
0x47: {  	_ =	shalt  }
0x48: {  	_ =	shalt  }
0x49: {  	_ =	shalt  }
0x4a: {  	_ =	shalt  }
0x4b: {  	_ =	shalt  }
0x4c: {  	_ =	shalt  }
0x4d: {  	_ =	shalt  }
0x4e: {  	_ =	shalt  }
0x4f: {  	_ =	shalt  }
0x50: {  	_ =	shalt  }
0x51: {  	_ =	shalt  }
0x52: {  	_ =	shalt  }
0x53: {  	_ =	shalt  }
0x54: {  	_ =	shalt  }
0x55: {  	_ =	shalt  }
0x56: {  	_ =	shalt  }
0x57: {  	_ =	shalt  }
0x58: {  	_ =	shalt  }
0x59: {  	_ =	shalt  }
0x5a: {  	_ =	shalt  }
0x5b: {  	_ =	shalt  }
0x5c: {  	_ =	shalt  }
0x5d: {  	_ =	shalt  }
0x5e: {  	_ =	shalt  }
0x5f: {  	_ =	shalt  }
0x60: {  	_ =	shalt  }
0x61: {  	_ =	shalt  }
0x62: {  	_ =	shalt  }
0x63: {  	_ =	shalt  }
0x64: {  	_ =	shalt  }
0x65: {  	_ =	shalt  }
0x66: {  	_ =	shalt  }
0x67: {  	_ =	shalt  }
0x68: {  	_ =	shalt  }
0x69: {  	_ =	shalt  }
0x6a: {  	_ =	shalt  }
0x6b: {  	_ =	shalt  }
0x6c: {  	_ =	shalt  }
0x6d: {  	_ =	shalt  }
0x6e: {  	_ =	shalt  }
0x6f: {  	_ =	shalt  }
0x70: {  	_ =	shalt  }
0x71: {  	_ =	shalt  }
0x72: {  	_ =	shalt  }
0x73: {  	_ =	shalt  }
0x74: {  	_ =	shalt  }
0x75: {  	_ =	shalt  }
0x76: {  	_ =	shalt  }
0x77: {  	_ =	shalt  }
0x78: {  	_ =	shalt  }
0x79: {  	_ =	shalt  }
0x7a: {  	_ =	shalt  }
0x7b: {  	_ =	shalt  }
0x7c: {  	_ =	shalt  }
0x7d: {  	_ =	shalt  }
0x7e: {  	_ =	shalt  }
0x7f: {  	_ =	shalt  }
0x80: {  	_ =	shalt  }
0x81: {  	_ =	shalt  }
0x82: {  	_ =	shalt  }
0x83: {  	_ =	shalt  }
0x84: {  	_ =	shalt  }
0x85: {  	_ =	shalt  }
0x86: {  	_ =	shalt  }
0x87: {  	_ =	shalt  }
.Lfunc_end0:
.L_simem_size_0:
called_computation_lowered:
.L_overlay_start_0:
0x88: {  	s2 =	sld [smem:$0x3FD9]  }
0x89: {  	s3 =	sld [smem:$0x3FFE];
	_ =	sdelay $0x1  }
0x8a: {  	s1 =	srdreg.scid  }
0x8b: {  	s0 =	sand.u32 $0x1, s1  }
0x8c: {  	s14 =	sshll.u32 s0, $0xA;
	s2 =	sadd.s32 s3, s2  }
0x8d: {  	s2 =	sadd.s32 s2, s14  }
0x8e: {  	[smem:$0x3FC2] =	sst s2  }
0x8f: {  	_ = 	snop  }
0x90: {  	s2 =	sld [smem:$0x3FD0];
	_ =	sdelay $0x2  }
0x91: {  	s4 =	simm.s32 $0xA;
	s5 =	simm.s32 $0x10;
	s15 =	sld [smem:$0x3FC7]  }
0x92: {  	[smem:s5], [sflag:s4] =	dma.local [hbm:s2], $0x1  }
0x93: {  	_ =	swait.eq [sflag:s4], $0x1  }
0x94: {  	[sflag:s4] =	ssyncset.done $0x0  }
0x95: {  	[sflag:s4] =	ssyncadd.s32 $0xFFFFFFFF  }
0x96: {  	s16 =	sld [smem:$0x10];
	(tm) =	ssettm $0x1  }
0x97: {  	s17 =	sld [smem:$0x3FFB];
	_ =	sdelay $0x3  }
0x98: {  	_ =	strace s17  }
0x99: {  	s4 =	sld [smem:$0x3FFC];
	_ =	sdelay $0x3  }
0x9a: {  	_ =	strace s4  }
0x9b: {  	s4 =	sld [smem:$0x3FFD];
	_ =	sdelay $0x3  }
0x9c: {  	_ =	strace s4  }
0x9d: {  	_ =	strace $0x8FFFFFFF  }
0x9e: {  	s18 =	sld [smem:$0x3FDB];
	_ =	sdelay $0x1  }
0x9f: {  	s19 =	simm.s32 $_scs_section_size  }
0xa0: {  	s6 =	simm.s32 $_size__tile_overlayer_lowered;
	s7 =	simm.s32 $_tile_overlayer_lowered  }
0xa1: {  	s22 =	simm.s32 $0x1BFF;
	s21 =	sshll.u32 s7, $0x1;
	s4 =	sadd.s32 s19, s18  }
0xa2: {  	s8 =	simm.s32 $0x0;
	s20 =	sshll.u32 s6, $0x1;
	s6 =	sadd.s32 s21, s4  }
0xa3: {  	[timem:s8], [sflag:s22] =	dma.local [hbm:s6], s20  }
0xa4: {  	_ =	swait.ge [sflag:s22], s20  }
0xa5: {  	s5 =	ssub.s32 $0x0, s20;
	[sflag:s22] =	ssyncset.done $0x0  }
0xa6: {  	[sflag:s22] =	ssyncadd.s32 s5;
	_ =	sdelay $0x1  }
0xa7: {  	s23 =	simm.s32 $0x1B8B  }
0xa8: {  	_ =	swait.ge [sflag:s23], $0x1  }
0xa9: {  	[sflag:s23] =	ssyncset.done $0x0  }
0xaa: {  	s25 =	simm.s32 $0x1B8E;
	s24 =	sld [smem:$0x3FFE];
	[sflag:s23] =	ssyncadd.s32 $0xFFFFFFFF  }
0xab: {  	s26 =	simm.s32 $execute0_lowered;
	[smem:$0x3FD2] =	sst s25  }
0xac: {  	s6 =	sshll.u32 s26, $0x1;
	_ =	strace $0x80000046;
	[dreg:$0x1] =	wrdreg $0xFFFFFFFF  }
0xad: {  	s28 =	simm.s32 $_size_execute0_lowered;
	s4 =	sadd.s32 s4, s6;
	[dreg:$0x0] =	wrdreg $0x0  }
0xae: {  	s6 =	sshll.u32 s28, $0x1;
	[dreg:$0x2] =	wrdreg s4  }
0xaf: {  	[dreg:$0x3] =	wrdreg s6  }
0xb0: {  	[dreg:$0x4] =	wrdreg $0xC0  }
0xb1: {  	_ =	task [dreg:s8], $0x5FFFF  }
0xb2: {  	[dreg:$0x1] =	wrdreg $0xFFFFFFFF  }
0xb3: {  	[dreg:$0x0] =	wrdreg $0x60  }
0xb4: {  	[dreg:$0x2] =	wrdreg s15  }
0xb5: {  	[dreg:$0x3] =	wrdreg s16  }
0xb6: {  	[dreg:$0x4] =	wrdreg s24  }
0xb7: {  	[dreg:$0x5] =	wrdreg $0x9  }
0xb8: {  	_ =	task.clear_ibuf [dreg:s8], $0x6FFFF;
	_ =	strace $0x90000046  }
0xb9: {  	s29 =	simm.s32 $0x9;
	_ =	strace $0x80000048  }
0xba: {  	_ =	swait.ge [sflag:s29], $0x1  }
0xbb: {  	[sflag:s29] =	ssyncadd.s32 $0xFFFFFFFF  }
0xbc: {  	_ =	strace $0x90000048  }
0xbd: {  	_ =	sfence  }
0xbe: {  	s30 =	sld [smem:$0x0];
	_ =	sdelay $0x2  }
0xbf: {  	s31 =	sshll.u32 s1, $0xD;
	s1 =	sshrl.u32 s1, $0x2  }
0xc0: {  	s3 =	sand.u32 $0x4000, s31;
	s1 =	sadd.s32 s1, s30  }
0xc1: {  	s0 =	sor.u32 s3, s0;
	s1 =	sshll.u32 s1, $0x11  }
0xc2: {  	s0 =	sor.u32 s1, s0  }
0xc3: {  	s0 =	sadd.s32 $0x8F2B, s0  }
0xc4: {  	[sflag:s0] =	ssyncadd.remote.s32 $0x1  }
0xc5: {  	_ =	sfence.sel $0xFFFF  }
0xc6: {  	[dreg:$0x0] =	wrdreg $0xFFFFFFFF;
	(pc) =	sbr.abs _section_cstart, $3  }
0xc7: {  	[dreg:$0x1] =	wrdreg $0xFFFFFFFF  }
0xc8: {  	_ =	task.clear_ibuf [dreg:s8], $0x2FFFF;
	_ =	strace $0x9FFFFFFF  }
0xc9: {  	(tm) =	ssettm $0x7FFFFFFF  }
tec
execute0_lowered:
.L_overlay_start_1:
0x0: {  	(tag) =	ssettag $0x1  }
0x1: {  	s1 =	rddreg [dreg:$0x0]  }
0x2: {  	s0 =	srdreg.scid;
	s2 =	rddreg [dreg:$0x1]  }
0x3: {  	s3 =	stileid.u32;
	s4 =	rddreg [dreg:$0x2]  }
0x4: {  	s17 =	simm.s32 $0x1;
	s18 =	simm.s32 $0x11100;
	s9 =	simm.s32 $0x12100  }
0x5: {  	s10 =	simm.s32 $0x12900;
	s11 =	simm.s32 $0x13100;
	s12 =	simm.s32 $0x13900  }
0x6: {  	s13 =	simm.s32 $0x14100;
	s14 =	simm.s32 $0x14900;
	s15 =	simm.s32 $0x15100  }
0x7: {  	s16 =	simm.s32 $0x15900;
	s28 =	simm.s32 $0x16900;
	s0 =	sand.u32 $0x1, s0  }
0x8: {  	s29 =	simm.s32 $0x17100;
	s5 =	sshll.u32 s3, $0x9;
	s6 =	sshll.u32 s0, $0x8  }
0x9: {  	s30 =	simm.s32 $0x17900;
	s3 =	simm.s32 $0x0;
	s5 =	sor.u32 s6, s5  }
0xa: {  	[smem:$0x7FF] =	sst s3;
	s6 =	sshll.u32 s5, $0x7;
	s5 =	sshrl.u32 s5, $0x3  }
0xb: {  	s0 =	ssub.s32 $0x2, s0;
	s7 =	sadd.s32 s6, s4;
	s2 =	sadd.s32 s2, s5  }
0xc: {  	_ =	strace $0x80000047;
	[dreg:$0x4] =	wrdreg s2;
	s19 =	sadd.s32 $0x800, s7  }
0xd: {  	s22 =	sshrl.u32 s0, $0x1;
	s20 =	sadd.s32 $0x1800, s7;
	[dreg:$0x5] =	wrdreg s19  }
0xe: {  	s0 =	ssub.s32 s0, s22;
	s21 =	sadd.s32 $0x2800, s7;
	[dreg:$0x6] =	wrdreg s20  }
0xf: {  	s22 =	simm.s32 $0x5;
	s23 =	sadd.s32 $0x3800, s7;
	[dreg:$0x7] =	wrdreg s21  }
0x10: {  	s4 =	sadd.s32 $0x100, s1;
	s24 =	sadd.s32 $0x4800, s7;
	[dreg:$0x8] =	wrdreg s23  }
0x11: {  	s5 =	sadd.s32 $0x200, s1;
	s25 =	sadd.s32 $0x5800, s7;
	[dreg:$0x9] =	wrdreg s24  }
0x12: {  	s6 =	sadd.s32 $0x300, s1;
	s26 =	sadd.s32 $0x6800, s7;
	[dreg:$0xa] =	wrdreg s25  }
0x13: {  	v2 =	vlaneseq.u32;
	s31 =	sadd.s32 $0x7800, s7;
	s7 =	smax.u32 s0, $0x1;
	[dreg:$0xb] =	wrdreg s26  }
0x14: {  	vm0 =	vmmov $0xffff;
	v1 =	vshrl.u32 v2, $0x3;
	[dreg:$0xc] =	wrdreg s31;
	s19 =	simm.s32 $0x2;
	s20 =	simm.s32 $0x4  }
0x15: {  	v0 =	vand.u32 $0x7, v2;
	v2 =	vor.u32 $0x8, v2;
	v1 =	vmul.u32 $0x8, v1;
	s25 =	simm.s32 $0x100;
	s21 =	simm.s32 $0x10900;
	s26 =	simm.s32 $0x16100  }
.LBB2_1:
0x16: {  	s24 =	rddreg [dreg:$0x4];
	s23 =	simm.s32 $0x7  }
0x17: {  	[tilespmem:s3], [sflag:$0x7] =	stream.linear.gather [hbm4b:s24+s3], $0x100, $0x38;
	[tilespmem:$0x18100] =	vst v63  }
0x18: {  	_ =	swait.ge [sflag:s23], $0x100  }
0x19: {  	[sflag:s23] =	ssyncset.done $0x0  }
0x1a: {  	[sflag:s23] =	ssyncadd.s32 $0xFFFFFF00  }
0x1b: {  	v3 =	vld [tilespmem:$0x0];
	_ =	sdelay $0x4  }
0x1c: {  	v4 =	vshll.u32 v3, $0x3  }
0x1d: {  	v3 =	vand.u32 $0x7, v3;
	v4 =	vand.u32 $0xFFFFFFC0, v4  }
0x1e: {  	v3 =	vor.u32 v3, v4  }
0x1f: {  	v4 =	vperm.xlane v3, v0;
	_ =	sdelay $0x1  }
0x20: {  	v4 =	vadd.s32 v1, v4;
	_ =	sdelay $0x4  }
0x21: {  	[tilespmem:s25], [sflag:$0x1] =	stream.indirect_vreg.gather [hbm4b:s1+s3], $0x80, v4, vm0, $0xb8;
	[tilespmem:$0x18100] =	vst v63  }
0x22: {  	s0 =	simm.s32 $0x900;
	v3 =	vperm.xlane v3, v2  }
0x23: {  	[tilespmem:s0], [sflag:$0x1] =	stream.indirect_vreg.gather [hbm4b:s4+s3], $0x80, v4, vm0, $0xb8;
	[tilespmem:$0x18100] =	vst v63  }
0x24: {  	s24 =	simm.s32 $0x1100;
	v3 =	vadd.s32 v1, v3  }
0x25: {  	[tilespmem:s24], [sflag:$0x1] =	stream.indirect_vreg.gather [hbm4b:s5+s3], $0x80, v4, vm0, $0xb8;
	[tilespmem:$0x18100] =	vst v63  }
0x26: {  	s31 =	simm.s32 $0x1900  }
0x27: {  	[tilespmem:s31], [sflag:$0x1] =	stream.indirect_vreg.gather [hbm4b:s6+s3], $0x80, v4, vm0, $0xb8;
	[tilespmem:$0x18100] =	vst v63  }
0x28: {  	s2 =	simm.s32 $0x2100  }
0x29: {  	[tilespmem:s2], [sflag:$0x1] =	stream.indirect_vreg.gather [hbm4b:s1+s3], $0x80, v3, vm0, $0xb8;
	[tilespmem:$0x18100] =	vst v63  }
0x2a: {  	s8 =	simm.s32 $0x2900  }
0x2b: {  	[tilespmem:s8], [sflag:$0x1] =	stream.indirect_vreg.gather [hbm4b:s4+s3], $0x80, v3, vm0, $0xb8;
	[tilespmem:$0x18100] =	vst v63  }
0x2c: {  	s24 =	simm.s32 $0x3100  }
0x2d: {  	[tilespmem:s24], [sflag:$0x1] =	stream.indirect_vreg.gather [hbm4b:s5+s3], $0x80, v3, vm0, $0xb8;
	[tilespmem:$0x18100] =	vst v63  }
0x2e: {  	s31 =	simm.s32 $0x3900  }
0x2f: {  	[tilespmem:s31], [sflag:$0x1] =	stream.indirect_vreg.gather [hbm4b:s6+s3], $0x80, v3, vm0, $0xb8;
	[tilespmem:$0x18100] =	vst v63  }
0x30: {  	v3 =	vld [tilespmem:$0x10];
	_ =	sdelay $0x4  }
0x31: {  	v49 =	vshll.u32 v3, $0x3  }
0x32: {  	v3 =	vand.u32 $0x7, v3;
	v4 =	vand.u32 $0xFFFFFFC0, v49  }
0x33: {  	v3 =	vor.u32 v3, v4  }
0x34: {  	v4 =	vperm.xlane v3, v0;
	_ =	sdelay $0x1  }
0x35: {  	v4 =	vadd.s32 v1, v4;
	_ =	sdelay $0x3  }
0x36: {  	s2 =	simm.s32 $0x4100  }
0x37: {  	[tilespmem:s2], [sflag:$0x1] =	stream.indirect_vreg.gather [hbm4b:s1+s3], $0x80, v4, vm0, $0xb8;
	[tilespmem:$0x18100] =	vst v63  }
0x38: {  	s8 =	simm.s32 $0x4900;
	v3 =	vperm.xlane v3, v2  }
0x39: {  	[tilespmem:s8], [sflag:$0x1] =	stream.indirect_vreg.gather [hbm4b:s4+s3], $0x80, v4, vm0, $0xb8;
	[tilespmem:$0x18100] =	vst v63  }
0x3a: {  	s24 =	simm.s32 $0x5100;
	v3 =	vadd.s32 v1, v3  }
0x3b: {  	[tilespmem:s24], [sflag:$0x1] =	stream.indirect_vreg.gather [hbm4b:s5+s3], $0x80, v4, vm0, $0xb8;
	[tilespmem:$0x18100] =	vst v63  }
0x3c: {  	s2 =	simm.s32 $0x5900  }
0x3d: {  	[tilespmem:s2], [sflag:$0x1] =	stream.indirect_vreg.gather [hbm4b:s6+s3], $0x80, v4, vm0, $0xb8;
	[tilespmem:$0x18100] =	vst v63  }
0x3e: {  	s8 =	simm.s32 $0x6100  }
0x3f: {  	[tilespmem:s8], [sflag:$0x1] =	stream.indirect_vreg.gather [hbm4b:s1+s3], $0x80, v3, vm0, $0xb8;
	[tilespmem:$0x18100] =	vst v63  }
0x40: {  	s24 =	simm.s32 $0x6900  }
0x41: {  	[tilespmem:s24], [sflag:$0x1] =	stream.indirect_vreg.gather [hbm4b:s4+s3], $0x80, v3, vm0, $0xb8;
	[tilespmem:$0x18100] =	vst v63  }
0x42: {  	s2 =	simm.s32 $0x7100  }
0x43: {  	[tilespmem:s2], [sflag:$0x1] =	stream.indirect_vreg.gather [hbm4b:s5+s3], $0x80, v3, vm0, $0xb8;
	[tilespmem:$0x18100] =	vst v63  }
0x44: {  	s8 =	simm.s32 $0x7900  }
0x45: {  	[tilespmem:s8], [sflag:$0x1] =	stream.indirect_vreg.gather [hbm4b:s6+s3], $0x80, v3, vm0, $0xb8;
	[tilespmem:$0x18100] =	vst v63  }
0x46: {  	v3 =	vld [tilespmem:$0x20];
	_ =	sdelay $0x4  }
0x47: {  	v50 =	vshll.u32 v3, $0x3  }
0x48: {  	v3 =	vand.u32 $0x7, v3;
	v4 =	vand.u32 $0xFFFFFFC0, v50  }
0x49: {  	v3 =	vor.u32 v3, v4  }
0x4a: {  	v4 =	vperm.xlane v3, v0;
	_ =	sdelay $0x1  }
0x4b: {  	v4 =	vadd.s32 v1, v4;
	_ =	sdelay $0x3  }
0x4c: {  	s0 =	simm.s32 $0x8100  }
0x4d: {  	[tilespmem:s0], [sflag:$0x2] =	stream.indirect_vreg.gather [hbm4b:s1+s3], $0x80, v4, vm0, $0xb8;
	[tilespmem:$0x18100] =	vst v63  }
0x4e: {  	s2 =	simm.s32 $0x8900;
	v3 =	vperm.xlane v3, v2  }
0x4f: {  	[tilespmem:s2], [sflag:$0x2] =	stream.indirect_vreg.gather [hbm4b:s4+s3], $0x80, v4, vm0, $0xb8;
	[tilespmem:$0x18100] =	vst v63  }
0x50: {  	s24 =	simm.s32 $0x9100;
	v3 =	vadd.s32 v1, v3  }
0x51: {  	[tilespmem:s24], [sflag:$0x2] =	stream.indirect_vreg.gather [hbm4b:s5+s3], $0x80, v4, vm0, $0xb8;
	[tilespmem:$0x18100] =	vst v63  }
0x52: {  	s8 =	simm.s32 $0x9900  }
0x53: {  	[tilespmem:s8], [sflag:$0x2] =	stream.indirect_vreg.gather [hbm4b:s6+s3], $0x80, v4, vm0, $0xb8;
	[tilespmem:$0x18100] =	vst v63  }
0x54: {  	s24 =	simm.s32 $0xA100  }
0x55: {  	[tilespmem:s24], [sflag:$0x2] =	stream.indirect_vreg.gather [hbm4b:s1+s3], $0x80, v3, vm0, $0xb8;
	[tilespmem:$0x18100] =	vst v63  }
0x56: {  	s8 =	simm.s32 $0xA900  }
0x57: {  	[tilespmem:s8], [sflag:$0x2] =	stream.indirect_vreg.gather [hbm4b:s4+s3], $0x80, v3, vm0, $0xb8;
	[tilespmem:$0x18100] =	vst v63  }
0x58: {  	s24 =	simm.s32 $0xB100  }
0x59: {  	[tilespmem:s24], [sflag:$0x2] =	stream.indirect_vreg.gather [hbm4b:s5+s3], $0x80, v3, vm0, $0xb8;
	[tilespmem:$0x18100] =	vst v63  }
0x5a: {  	s8 =	simm.s32 $0xB900  }
0x5b: {  	[tilespmem:s8], [sflag:$0x2] =	stream.indirect_vreg.gather [hbm4b:s6+s3], $0x80, v3, vm0, $0xb8;
	[tilespmem:$0x18100] =	vst v63  }
0x5c: {  	v3 =	vld [tilespmem:$0x30];
	_ =	sdelay $0x4  }
0x5d: {  	v51 =	vshll.u32 v3, $0x3  }
0x5e: {  	v3 =	vand.u32 $0x7, v3;
	v4 =	vand.u32 $0xFFFFFFC0, v51  }
0x5f: {  	v3 =	vor.u32 v3, v4  }
0x60: {  	v4 =	vperm.xlane v3, v0;
	_ =	sdelay $0x1  }
0x61: {  	v4 =	vadd.s32 v1, v4;
	_ =	sdelay $0x3  }
0x62: {  	s24 =	simm.s32 $0xC100  }
0x63: {  	[tilespmem:s24], [sflag:$0x2] =	stream.indirect_vreg.gather [hbm4b:s1+s3], $0x80, v4, vm0, $0xb8;
	[tilespmem:$0x18100] =	vst v63  }
0x64: {  	s8 =	simm.s32 $0xC900;
	v3 =	vperm.xlane v3, v2  }
0x65: {  	[tilespmem:s8], [sflag:$0x2] =	stream.indirect_vreg.gather [hbm4b:s4+s3], $0x80, v4, vm0, $0xb8;
	[tilespmem:$0x18100] =	vst v63  }
0x66: {  	v3 =	vadd.s32 v1, v3;
	s24 =	simm.s32 $0xD100  }
0x67: {  	[tilespmem:s24], [sflag:$0x2] =	stream.indirect_vreg.gather [hbm4b:s5+s3], $0x80, v4, vm0, $0xb8;
	[tilespmem:$0x18100] =	vst v63  }
0x68: {  	s8 =	simm.s32 $0xD900  }
0x69: {  	[tilespmem:s8], [sflag:$0x2] =	stream.indirect_vreg.gather [hbm4b:s6+s3], $0x80, v4, vm0, $0xb8;
	[tilespmem:$0x18100] =	vst v63  }
0x6a: {  	s24 =	simm.s32 $0xE100  }
0x6b: {  	[tilespmem:s24], [sflag:$0x2] =	stream.indirect_vreg.gather [hbm4b:s1+s3], $0x80, v3, vm0, $0xb8;
	[tilespmem:$0x18100] =	vst v63  }
0x6c: {  	s8 =	simm.s32 $0xE900  }
0x6d: {  	[tilespmem:s8], [sflag:$0x2] =	stream.indirect_vreg.gather [hbm4b:s4+s3], $0x80, v3, vm0, $0xb8;
	[tilespmem:$0x18100] =	vst v63  }
0x6e: {  	s24 =	simm.s32 $0xF100  }
0x6f: {  	[tilespmem:s24], [sflag:$0x2] =	stream.indirect_vreg.gather [hbm4b:s5+s3], $0x80, v3, vm0, $0xb8;
	[tilespmem:$0x18100] =	vst v63  }
0x70: {  	s8 =	simm.s32 $0xF900  }
0x71: {  	[tilespmem:s8], [sflag:$0x2] =	stream.indirect_vreg.gather [hbm4b:s6+s3], $0x80, v3, vm0, $0xb8;
	[tilespmem:$0x18100] =	vst v63  }
0x72: {  	_ =	swait.ge [sflag:s17], $0x8000  }
0x73: {  	[sflag:s17] =	ssyncset.done $0x0  }
0x74: {  	[sflag:s17] =	ssyncadd.s32 $0xFFFF8000  }
0x75: {  	v3 =	vld [tilespmem:$0x40];
	_ =	sdelay $0x4  }
0x76: {  	v52 =	vshll.u32 v3, $0x3  }
0x77: {  	v3 =	vand.u32 $0x7, v3;
	v4 =	vand.u32 $0xFFFFFFC0, v52  }
0x78: {  	v3 =	vor.u32 v3, v4  }
0x79: {  	v4 =	vperm.xlane v3, v0;
	_ =	sdelay $0x1  }
0x7a: {  	v4 =	vadd.s32 v1, v4;
	_ =	sdelay $0x3  }
0x7b: {  	s2 =	simm.s32 $0x10100  }
0x7c: {  	[tilespmem:s2], [sflag:$0x3] =	stream.indirect_vreg.gather [hbm4b:s1+s3], $0x80, v4, vm0, $0xb8;
	[tilespmem:$0x18100] =	vst v63  }
0x7d: {  	v3 =	vperm.xlane v3, v2  }
0x7e: {  	[tilespmem:s21], [sflag:$0x3] =	stream.indirect_vreg.gather [hbm4b:s4+s3], $0x80, v4, vm0, $0xb8;
	[tilespmem:$0x18100] =	vst v63  }
0x7f: {  	v3 =	vadd.s32 v1, v3  }
0x80: {  	[tilespmem:s18], [sflag:$0x3] =	stream.indirect_vreg.gather [hbm4b:s5+s3], $0x80, v4, vm0, $0xb8;
	[tilespmem:$0x18100] =	vst v63  }
0x81: {  	s8 =	simm.s32 $0x11900  }
0x82: {  	[tilespmem:s8], [sflag:$0x3] =	stream.indirect_vreg.gather [hbm4b:s6+s3], $0x80, v4, vm0, $0xb8;
	[tilespmem:$0x18100] =	vst v63  }
0x83: {  	_ = 	snop  }
0x84: {  	[tilespmem:s9], [sflag:$0x3] =	stream.indirect_vreg.gather [hbm4b:s1+s3], $0x80, v3, vm0, $0xb8;
	[tilespmem:$0x18100] =	vst v63  }
0x85: {  	_ = 	snop  }
0x86: {  	[tilespmem:s10], [sflag:$0x3] =	stream.indirect_vreg.gather [hbm4b:s4+s3], $0x80, v3, vm0, $0xb8;
	[tilespmem:$0x18100] =	vst v63  }
0x87: {  	_ = 	snop  }
0x88: {  	[tilespmem:s11], [sflag:$0x3] =	stream.indirect_vreg.gather [hbm4b:s5+s3], $0x80, v3, vm0, $0xb8;
	[tilespmem:$0x18100] =	vst v63  }
0x89: {  	_ = 	snop  }
0x8a: {  	[tilespmem:s12], [sflag:$0x3] =	stream.indirect_vreg.gather [hbm4b:s6+s3], $0x80, v3, vm0, $0xb8;
	[tilespmem:$0x18100] =	vst v63  }
0x8b: {  	v3 =	vld [tilespmem:$0x50];
	_ =	sdelay $0x4  }
0x8c: {  	v53 =	vshll.u32 v3, $0x3  }
0x8d: {  	v3 =	vand.u32 $0x7, v3;
	v4 =	vand.u32 $0xFFFFFFC0, v53  }
0x8e: {  	v3 =	vor.u32 v3, v4  }
0x8f: {  	v4 =	vperm.xlane v3, v0;
	_ =	sdelay $0x1  }
0x90: {  	v4 =	vadd.s32 v1, v4;
	_ =	sdelay $0x4  }
0x91: {  	[tilespmem:s13], [sflag:$0x3] =	stream.indirect_vreg.gather [hbm4b:s1+s3], $0x80, v4, vm0, $0xb8;
	[tilespmem:$0x18100] =	vst v63  }
0x92: {  	v3 =	vperm.xlane v3, v2  }
0x93: {  	[tilespmem:s14], [sflag:$0x3] =	stream.indirect_vreg.gather [hbm4b:s4+s3], $0x80, v4, vm0, $0xb8;
	[tilespmem:$0x18100] =	vst v63  }
0x94: {  	v3 =	vadd.s32 v1, v3  }
0x95: {  	[tilespmem:s15], [sflag:$0x3] =	stream.indirect_vreg.gather [hbm4b:s5+s3], $0x80, v4, vm0, $0xb8;
	[tilespmem:$0x18100] =	vst v63  }
0x96: {  	_ = 	snop  }
0x97: {  	[tilespmem:s16], [sflag:$0x3] =	stream.indirect_vreg.gather [hbm4b:s6+s3], $0x80, v4, vm0, $0xb8;
	[tilespmem:$0x18100] =	vst v63  }
0x98: {  	_ = 	snop  }
0x99: {  	[tilespmem:s26], [sflag:$0x3] =	stream.indirect_vreg.gather [hbm4b:s1+s3], $0x80, v3, vm0, $0xb8;
	[tilespmem:$0x18100] =	vst v63  }
0x9a: {  	_ = 	snop  }
0x9b: {  	[tilespmem:s28], [sflag:$0x3] =	stream.indirect_vreg.gather [hbm4b:s4+s3], $0x80, v3, vm0, $0xb8;
	[tilespmem:$0x18100] =	vst v63  }
0x9c: {  	_ = 	snop  }
0x9d: {  	[tilespmem:s29], [sflag:$0x3] =	stream.indirect_vreg.gather [hbm4b:s5+s3], $0x80, v3, vm0, $0xb8;
	[tilespmem:$0x18100] =	vst v63  }
0x9e: {  	_ = 	snop  }
0x9f: {  	[tilespmem:s30], [sflag:$0x3] =	stream.indirect_vreg.gather [hbm4b:s6+s3], $0x80, v3, vm0, $0xb8;
	[tilespmem:$0x18100] =	vst v63  }
0xa0: {  	s24 =	rddreg [dreg:$0x5]  }
0xa1: {  	[hbm4b:s24+s3] =	stream.linear.scatter [tilespmem:s25], [sflag:$0x4], $0x8000, $0x38;
	[tilespmem:$0x18100] =	vst v63  }
0xa2: {  	_ =	swait.ge [sflag:s19], $0x8000  }
0xa3: {  	[sflag:s19] =	ssyncset.done $0x0  }
0xa4: {  	[sflag:s19] =	ssyncadd.s32 $0xFFFF8000  }
0xa5: {  	_ =	swait.ge [sflag:s20], $0x8000  }
0xa6: {  	[sflag:s20] =	ssyncset.done $0x0  }
0xa7: {  	[sflag:s20] =	ssyncadd.s32 $0xFFFF8000  }
0xa8: {  	v3 =	vld [tilespmem:$0x60];
	_ =	sdelay $0x4  }
0xa9: {  	v54 =	vshll.u32 v3, $0x3  }
0xaa: {  	v3 =	vand.u32 $0x7, v3;
	v4 =	vand.u32 $0xFFFFFFC0, v54  }
0xab: {  	v3 =	vor.u32 v3, v4  }
0xac: {  	v4 =	vperm.xlane v3, v0;
	_ =	sdelay $0x1  }
0xad: {  	v4 =	vadd.s32 v1, v4;
	_ =	sdelay $0x4  }
0xae: {  	[tilespmem:s25], [sflag:$0x1] =	stream.indirect_vreg.gather [hbm4b:s1+s3], $0x80, v4, vm0, $0xb8;
	[tilespmem:$0x18100] =	vst v63  }
0xaf: {  	s23 =	simm.s32 $0x900;
	v3 =	vperm.xlane v3, v2  }
0xb0: {  	[tilespmem:s23], [sflag:$0x1] =	stream.indirect_vreg.gather [hbm4b:s4+s3], $0x80, v4, vm0, $0xb8;
	[tilespmem:$0x18100] =	vst v63  }
0xb1: {  	s24 =	simm.s32 $0x1100;
	v3 =	vadd.s32 v1, v3  }
0xb2: {  	[tilespmem:s24], [sflag:$0x1] =	stream.indirect_vreg.gather [hbm4b:s5+s3], $0x80, v4, vm0, $0xb8;
	[tilespmem:$0x18100] =	vst v63  }
0xb3: {  	s24 =	simm.s32 $0x1900  }
0xb4: {  	[tilespmem:s24], [sflag:$0x1] =	stream.indirect_vreg.gather [hbm4b:s6+s3], $0x80, v4, vm0, $0xb8;
	[tilespmem:$0x18100] =	vst v63  }
0xb5: {  	s24 =	simm.s32 $0x2100  }
0xb6: {  	[tilespmem:s24], [sflag:$0x1] =	stream.indirect_vreg.gather [hbm4b:s1+s3], $0x80, v3, vm0, $0xb8;
	[tilespmem:$0x18100] =	vst v63  }
0xb7: {  	s24 =	simm.s32 $0x2900  }
0xb8: {  	[tilespmem:s24], [sflag:$0x1] =	stream.indirect_vreg.gather [hbm4b:s4+s3], $0x80, v3, vm0, $0xb8;
	[tilespmem:$0x18100] =	vst v63  }
0xb9: {  	s24 =	simm.s32 $0x3100  }
0xba: {  	[tilespmem:s24], [sflag:$0x1] =	stream.indirect_vreg.gather [hbm4b:s5+s3], $0x80, v3, vm0, $0xb8;
	[tilespmem:$0x18100] =	vst v63  }
0xbb: {  	s31 =	simm.s32 $0x3900  }
0xbc: {  	[tilespmem:s31], [sflag:$0x1] =	stream.indirect_vreg.gather [hbm4b:s6+s3], $0x80, v3, vm0, $0xb8;
	[tilespmem:$0x18100] =	vst v63  }
0xbd: {  	v3 =	vld [tilespmem:$0x70];
	_ =	sdelay $0x4  }
0xbe: {  	v55 =	vshll.u32 v3, $0x3  }
0xbf: {  	v3 =	vand.u32 $0x7, v3;
	v4 =	vand.u32 $0xFFFFFFC0, v55  }
0xc0: {  	v3 =	vor.u32 v3, v4  }
0xc1: {  	v4 =	vperm.xlane v3, v0;
	_ =	sdelay $0x1  }
0xc2: {  	v4 =	vadd.s32 v1, v4;
	_ =	sdelay $0x3  }
0xc3: {  	s24 =	simm.s32 $0x4100  }
0xc4: {  	[tilespmem:s24], [sflag:$0x1] =	stream.indirect_vreg.gather [hbm4b:s1+s3], $0x80, v4, vm0, $0xb8;
	[tilespmem:$0x18100] =	vst v63  }
0xc5: {  	s31 =	simm.s32 $0x4900;
	v3 =	vperm.xlane v3, v2  }
0xc6: {  	[tilespmem:s31], [sflag:$0x1] =	stream.indirect_vreg.gather [hbm4b:s4+s3], $0x80, v4, vm0, $0xb8;
	[tilespmem:$0x18100] =	vst v63  }
0xc7: {  	v3 =	vadd.s32 v1, v3;
	s24 =	simm.s32 $0x5100  }
0xc8: {  	[tilespmem:s24], [sflag:$0x1] =	stream.indirect_vreg.gather [hbm4b:s5+s3], $0x80, v4, vm0, $0xb8;
	[tilespmem:$0x18100] =	vst v63  }
0xc9: {  	s31 =	simm.s32 $0x5900  }
0xca: {  	[tilespmem:s31], [sflag:$0x1] =	stream.indirect_vreg.gather [hbm4b:s6+s3], $0x80, v4, vm0, $0xb8;
	[tilespmem:$0x18100] =	vst v63  }
0xcb: {  	s24 =	simm.s32 $0x6100  }
0xcc: {  	[tilespmem:s24], [sflag:$0x1] =	stream.indirect_vreg.gather [hbm4b:s1+s3], $0x80, v3, vm0, $0xb8;
	[tilespmem:$0x18100] =	vst v63  }
0xcd: {  	s31 =	simm.s32 $0x6900  }
0xce: {  	[tilespmem:s31], [sflag:$0x1] =	stream.indirect_vreg.gather [hbm4b:s4+s3], $0x80, v3, vm0, $0xb8;
	[tilespmem:$0x18100] =	vst v63  }
0xcf: {  	s24 =	simm.s32 $0x7100  }
0xd0: {  	[tilespmem:s24], [sflag:$0x1] =	stream.indirect_vreg.gather [hbm4b:s5+s3], $0x80, v3, vm0, $0xb8;
	[tilespmem:$0x18100] =	vst v63  }
0xd1: {  	s31 =	simm.s32 $0x7900  }
0xd2: {  	[tilespmem:s31], [sflag:$0x1] =	stream.indirect_vreg.gather [hbm4b:s6+s3], $0x80, v3, vm0, $0xb8;
	[tilespmem:$0x18100] =	vst v63  }
0xd3: {  	s23 =	simm.s32 $0x3;
	s24 =	rddreg [dreg:$0x6]  }
0xd4: {  	[hbm4b:s24+s3] =	stream.linear.scatter [tilespmem:s0], [sflag:$0x5], $0x8000, $0x38;
	[tilespmem:$0x18100] =	vst v63  }
0xd5: {  	_ =	swait.ge [sflag:s23], $0x8000  }
0xd6: {  	[sflag:s23] =	ssyncset.done $0x0  }
0xd7: {  	[sflag:s23] =	ssyncadd.s32 $0xFFFF8000  }
0xd8: {  	_ =	swait.ge [sflag:s22], $0x8000  }
0xd9: {  	[sflag:s22] =	ssyncset.done $0x0  }
0xda: {  	[sflag:s22] =	ssyncadd.s32 $0xFFFF8000  }
0xdb: {  	v3 =	vld [tilespmem:$0x80];
	_ =	sdelay $0x4  }
0xdc: {  	v56 =	vshll.u32 v3, $0x3  }
0xdd: {  	v3 =	vand.u32 $0x7, v3;
	v4 =	vand.u32 $0xFFFFFFC0, v56  }
0xde: {  	v3 =	vor.u32 v3, v4  }
0xdf: {  	v4 =	vperm.xlane v3, v0;
	_ =	sdelay $0x1  }
0xe0: {  	v4 =	vadd.s32 v1, v4;
	_ =	sdelay $0x4  }
0xe1: {  	[tilespmem:s0], [sflag:$0x2] =	stream.indirect_vreg.gather [hbm4b:s1+s3], $0x80, v4, vm0, $0xb8;
	[tilespmem:$0x18100] =	vst v63  }
0xe2: {  	s31 =	simm.s32 $0x8900;
	v3 =	vperm.xlane v3, v2  }
0xe3: {  	[tilespmem:s31], [sflag:$0x2] =	stream.indirect_vreg.gather [hbm4b:s4+s3], $0x80, v4, vm0, $0xb8;
	[tilespmem:$0x18100] =	vst v63  }
0xe4: {  	v3 =	vadd.s32 v1, v3;
	s31 =	simm.s32 $0x9100  }
0xe5: {  	[tilespmem:s31], [sflag:$0x2] =	stream.indirect_vreg.gather [hbm4b:s5+s3], $0x80, v4, vm0, $0xb8;
	[tilespmem:$0x18100] =	vst v63  }
0xe6: {  	s31 =	simm.s32 $0x9900  }
0xe7: {  	[tilespmem:s31], [sflag:$0x2] =	stream.indirect_vreg.gather [hbm4b:s6+s3], $0x80, v4, vm0, $0xb8;
	[tilespmem:$0x18100] =	vst v63  }
0xe8: {  	s31 =	simm.s32 $0xA100  }
0xe9: {  	[tilespmem:s31], [sflag:$0x2] =	stream.indirect_vreg.gather [hbm4b:s1+s3], $0x80, v3, vm0, $0xb8;
	[tilespmem:$0x18100] =	vst v63  }
0xea: {  	s31 =	simm.s32 $0xA900  }
0xeb: {  	[tilespmem:s31], [sflag:$0x2] =	stream.indirect_vreg.gather [hbm4b:s4+s3], $0x80, v3, vm0, $0xb8;
	[tilespmem:$0x18100] =	vst v63  }
0xec: {  	s31 =	simm.s32 $0xB100  }
0xed: {  	[tilespmem:s31], [sflag:$0x2] =	stream.indirect_vreg.gather [hbm4b:s5+s3], $0x80, v3, vm0, $0xb8;
	[tilespmem:$0x18100] =	vst v63  }
0xee: {  	s31 =	simm.s32 $0xB900  }
0xef: {  	[tilespmem:s31], [sflag:$0x2] =	stream.indirect_vreg.gather [hbm4b:s6+s3], $0x80, v3, vm0, $0xb8;
	[tilespmem:$0x18100] =	vst v63  }
0xf0: {  	v3 =	vld [tilespmem:$0x90];
	_ =	sdelay $0x4  }
0xf1: {  	v57 =	vshll.u32 v3, $0x3  }
0xf2: {  	v3 =	vand.u32 $0x7, v3;
	v4 =	vand.u32 $0xFFFFFFC0, v57  }
0xf3: {  	v3 =	vor.u32 v3, v4  }
0xf4: {  	v4 =	vperm.xlane v3, v0;
	_ =	sdelay $0x1  }
0xf5: {  	v4 =	vadd.s32 v1, v4;
	_ =	sdelay $0x3  }
0xf6: {  	s31 =	simm.s32 $0xC100  }
0xf7: {  	[tilespmem:s31], [sflag:$0x2] =	stream.indirect_vreg.gather [hbm4b:s1+s3], $0x80, v4, vm0, $0xb8;
	[tilespmem:$0x18100] =	vst v63  }
0xf8: {  	v3 =	vperm.xlane v3, v2;
	s31 =	simm.s32 $0xC900  }
0xf9: {  	[tilespmem:s31], [sflag:$0x2] =	stream.indirect_vreg.gather [hbm4b:s4+s3], $0x80, v4, vm0, $0xb8;
	[tilespmem:$0x18100] =	vst v63  }
0xfa: {  	v3 =	vadd.s32 v1, v3;
	s31 =	simm.s32 $0xD100  }
0xfb: {  	[tilespmem:s31], [sflag:$0x2] =	stream.indirect_vreg.gather [hbm4b:s5+s3], $0x80, v4, vm0, $0xb8;
	[tilespmem:$0x18100] =	vst v63  }
0xfc: {  	s31 =	simm.s32 $0xD900  }
0xfd: {  	[tilespmem:s31], [sflag:$0x2] =	stream.indirect_vreg.gather [hbm4b:s6+s3], $0x80, v4, vm0, $0xb8;
	[tilespmem:$0x18100] =	vst v63  }
0xfe: {  	s31 =	simm.s32 $0xE100  }
0xff: {  	[tilespmem:s31], [sflag:$0x2] =	stream.indirect_vreg.gather [hbm4b:s1+s3], $0x80, v3, vm0, $0xb8;
	[tilespmem:$0x18100] =	vst v63  }
0x100: {  	s31 =	simm.s32 $0xE900  }
0x101: {  	[tilespmem:s31], [sflag:$0x2] =	stream.indirect_vreg.gather [hbm4b:s4+s3], $0x80, v3, vm0, $0xb8;
	[tilespmem:$0x18100] =	vst v63  }
0x102: {  	s31 =	simm.s32 $0xF100  }
0x103: {  	[tilespmem:s31], [sflag:$0x2] =	stream.indirect_vreg.gather [hbm4b:s5+s3], $0x80, v3, vm0, $0xb8;
	[tilespmem:$0x18100] =	vst v63  }
0x104: {  	s31 =	simm.s32 $0xF900  }
0x105: {  	[tilespmem:s31], [sflag:$0x2] =	stream.indirect_vreg.gather [hbm4b:s6+s3], $0x80, v3, vm0, $0xb8;
	[tilespmem:$0x18100] =	vst v63  }
0x106: {  	s24 =	rddreg [dreg:$0x7]  }
0x107: {  	[hbm4b:s24+s3] =	stream.linear.scatter [tilespmem:s2], [sflag:$0x6], $0x8000, $0x38;
	[tilespmem:$0x18100] =	vst v63  }
0x108: {  	_ =	swait.ge [sflag:s17], $0x8000  }
0x109: {  	[sflag:s17] =	ssyncset.done $0x0  }
0x10a: {  	s31 =	simm.s32 $0x6;
	[sflag:s17] =	ssyncadd.s32 $0xFFFF8000  }
0x10b: {  	_ =	swait.ge [sflag:s31], $0x8000  }
0x10c: {  	[sflag:s31] =	ssyncset.done $0x0  }
0x10d: {  	[sflag:s31] =	ssyncadd.s32 $0xFFFF8000  }
0x10e: {  	v3 =	vld [tilespmem:$0xA0];
	_ =	sdelay $0x4  }
0x10f: {  	v58 =	vshll.u32 v3, $0x3  }
0x110: {  	v3 =	vand.u32 $0x7, v3;
	v4 =	vand.u32 $0xFFFFFFC0, v58  }
0x111: {  	v3 =	vor.u32 v3, v4  }
0x112: {  	v4 =	vperm.xlane v3, v0;
	_ =	sdelay $0x1  }
0x113: {  	v4 =	vadd.s32 v1, v4;
	_ =	sdelay $0x4  }
0x114: {  	[tilespmem:s2], [sflag:$0x3] =	stream.indirect_vreg.gather [hbm4b:s1+s3], $0x80, v4, vm0, $0xb8;
	[tilespmem:$0x18100] =	vst v63  }
0x115: {  	v3 =	vperm.xlane v3, v2  }
0x116: {  	[tilespmem:s21], [sflag:$0x3] =	stream.indirect_vreg.gather [hbm4b:s4+s3], $0x80, v4, vm0, $0xb8;
	[tilespmem:$0x18100] =	vst v63  }
0x117: {  	v3 =	vadd.s32 v1, v3  }
0x118: {  	[tilespmem:s18], [sflag:$0x3] =	stream.indirect_vreg.gather [hbm4b:s5+s3], $0x80, v4, vm0, $0xb8;
	[tilespmem:$0x18100] =	vst v63  }
0x119: {  	_ = 	snop  }
0x11a: {  	[tilespmem:s8], [sflag:$0x3] =	stream.indirect_vreg.gather [hbm4b:s6+s3], $0x80, v4, vm0, $0xb8;
	[tilespmem:$0x18100] =	vst v63  }
0x11b: {  	_ = 	snop  }
0x11c: {  	[tilespmem:s9], [sflag:$0x3] =	stream.indirect_vreg.gather [hbm4b:s1+s3], $0x80, v3, vm0, $0xb8;
	[tilespmem:$0x18100] =	vst v63  }
0x11d: {  	_ = 	snop  }
0x11e: {  	[tilespmem:s10], [sflag:$0x3] =	stream.indirect_vreg.gather [hbm4b:s4+s3], $0x80, v3, vm0, $0xb8;
	[tilespmem:$0x18100] =	vst v63  }
0x11f: {  	_ = 	snop  }
0x120: {  	[tilespmem:s11], [sflag:$0x3] =	stream.indirect_vreg.gather [hbm4b:s5+s3], $0x80, v3, vm0, $0xb8;
	[tilespmem:$0x18100] =	vst v63  }
0x121: {  	_ = 	snop  }
0x122: {  	[tilespmem:s12], [sflag:$0x3] =	stream.indirect_vreg.gather [hbm4b:s6+s3], $0x80, v3, vm0, $0xb8;
	[tilespmem:$0x18100] =	vst v63  }
0x123: {  	v3 =	vld [tilespmem:$0xB0];
	_ =	sdelay $0x4  }
0x124: {  	v59 =	vshll.u32 v3, $0x3  }
0x125: {  	v3 =	vand.u32 $0x7, v3;
	v4 =	vand.u32 $0xFFFFFFC0, v59  }
0x126: {  	v3 =	vor.u32 v3, v4  }
0x127: {  	v4 =	vperm.xlane v3, v0;
	_ =	sdelay $0x1  }
0x128: {  	v4 =	vadd.s32 v1, v4;
	_ =	sdelay $0x4  }
0x129: {  	[tilespmem:s13], [sflag:$0x3] =	stream.indirect_vreg.gather [hbm4b:s1+s3], $0x80, v4, vm0, $0xb8;
	[tilespmem:$0x18100] =	vst v63  }
0x12a: {  	v3 =	vperm.xlane v3, v2  }
0x12b: {  	[tilespmem:s14], [sflag:$0x3] =	stream.indirect_vreg.gather [hbm4b:s4+s3], $0x80, v4, vm0, $0xb8;
	[tilespmem:$0x18100] =	vst v63  }
0x12c: {  	v3 =	vadd.s32 v1, v3  }
0x12d: {  	[tilespmem:s15], [sflag:$0x3] =	stream.indirect_vreg.gather [hbm4b:s5+s3], $0x80, v4, vm0, $0xb8;
	[tilespmem:$0x18100] =	vst v63  }
0x12e: {  	_ = 	snop  }
0x12f: {  	[tilespmem:s16], [sflag:$0x3] =	stream.indirect_vreg.gather [hbm4b:s6+s3], $0x80, v4, vm0, $0xb8;
	[tilespmem:$0x18100] =	vst v63  }
0x130: {  	_ = 	snop  }
0x131: {  	[tilespmem:s26], [sflag:$0x3] =	stream.indirect_vreg.gather [hbm4b:s1+s3], $0x80, v3, vm0, $0xb8;
	[tilespmem:$0x18100] =	vst v63  }
0x132: {  	_ = 	snop  }
0x133: {  	[tilespmem:s28], [sflag:$0x3] =	stream.indirect_vreg.gather [hbm4b:s4+s3], $0x80, v3, vm0, $0xb8;
	[tilespmem:$0x18100] =	vst v63  }
0x134: {  	_ = 	snop  }
0x135: {  	[tilespmem:s29], [sflag:$0x3] =	stream.indirect_vreg.gather [hbm4b:s5+s3], $0x80, v3, vm0, $0xb8;
	[tilespmem:$0x18100] =	vst v63  }
0x136: {  	_ = 	snop  }
0x137: {  	[tilespmem:s30], [sflag:$0x3] =	stream.indirect_vreg.gather [hbm4b:s6+s3], $0x80, v3, vm0, $0xb8;
	[tilespmem:$0x18100] =	vst v63  }
0x138: {  	s8 =	rddreg [dreg:$0x8]  }
0x139: {  	[hbm4b:s8+s3] =	stream.linear.scatter [tilespmem:s25], [sflag:$0x4], $0x8000, $0x38;
	[tilespmem:$0x18100] =	vst v63  }
0x13a: {  	_ =	swait.ge [sflag:s19], $0x8000  }
0x13b: {  	[sflag:s19] =	ssyncset.done $0x0  }
0x13c: {  	[sflag:s19] =	ssyncadd.s32 $0xFFFF8000  }
0x13d: {  	_ =	swait.ge [sflag:s20], $0x8000  }
0x13e: {  	[sflag:s20] =	ssyncset.done $0x0  }
0x13f: {  	[sflag:s20] =	ssyncadd.s32 $0xFFFF8000  }
0x140: {  	v3 =	vld [tilespmem:$0xC0];
	_ =	sdelay $0x4  }
0x141: {  	v60 =	vshll.u32 v3, $0x3  }
0x142: {  	v3 =	vand.u32 $0x7, v3;
	v4 =	vand.u32 $0xFFFFFFC0, v60  }
0x143: {  	v3 =	vor.u32 v3, v4  }
0x144: {  	v4 =	vperm.xlane v3, v0;
	_ =	sdelay $0x1  }
0x145: {  	v4 =	vadd.s32 v1, v4;
	_ =	sdelay $0x4  }
0x146: {  	[tilespmem:s25], [sflag:$0x1] =	stream.indirect_vreg.gather [hbm4b:s1+s3], $0x80, v4, vm0, $0xb8;
	[tilespmem:$0x18100] =	vst v63  }
0x147: {  	s24 =	simm.s32 $0x900;
	v3 =	vperm.xlane v3, v2  }
0x148: {  	[tilespmem:s24], [sflag:$0x1] =	stream.indirect_vreg.gather [hbm4b:s4+s3], $0x80, v4, vm0, $0xb8;
	[tilespmem:$0x18100] =	vst v63  }
0x149: {  	v3 =	vadd.s32 v1, v3;
	s24 =	simm.s32 $0x1100  }
0x14a: {  	[tilespmem:s24], [sflag:$0x1] =	stream.indirect_vreg.gather [hbm4b:s5+s3], $0x80, v4, vm0, $0xb8;
	[tilespmem:$0x18100] =	vst v63  }
0x14b: {  	s24 =	simm.s32 $0x1900  }
0x14c: {  	[tilespmem:s24], [sflag:$0x1] =	stream.indirect_vreg.gather [hbm4b:s6+s3], $0x80, v4, vm0, $0xb8;
	[tilespmem:$0x18100] =	vst v63  }
0x14d: {  	s24 =	simm.s32 $0x2100  }
0x14e: {  	[tilespmem:s24], [sflag:$0x1] =	stream.indirect_vreg.gather [hbm4b:s1+s3], $0x80, v3, vm0, $0xb8;
	[tilespmem:$0x18100] =	vst v63  }
0x14f: {  	s24 =	simm.s32 $0x2900  }
0x150: {  	[tilespmem:s24], [sflag:$0x1] =	stream.indirect_vreg.gather [hbm4b:s4+s3], $0x80, v3, vm0, $0xb8;
	[tilespmem:$0x18100] =	vst v63  }
0x151: {  	s24 =	simm.s32 $0x3100  }
0x152: {  	[tilespmem:s24], [sflag:$0x1] =	stream.indirect_vreg.gather [hbm4b:s5+s3], $0x80, v3, vm0, $0xb8;
	[tilespmem:$0x18100] =	vst v63  }
0x153: {  	s24 =	simm.s32 $0x3900  }
0x154: {  	[tilespmem:s24], [sflag:$0x1] =	stream.indirect_vreg.gather [hbm4b:s6+s3], $0x80, v3, vm0, $0xb8;
	[tilespmem:$0x18100] =	vst v63  }
0x155: {  	v3 =	vld [tilespmem:$0xD0];
	_ =	sdelay $0x4  }
0x156: {  	v61 =	vshll.u32 v3, $0x3  }
0x157: {  	v3 =	vand.u32 $0x7, v3;
	v4 =	vand.u32 $0xFFFFFFC0, v61  }
0x158: {  	v3 =	vor.u32 v3, v4  }
0x159: {  	v4 =	vperm.xlane v3, v0;
	_ =	sdelay $0x1  }
0x15a: {  	v4 =	vadd.s32 v1, v4;
	_ =	sdelay $0x3  }
0x15b: {  	s24 =	simm.s32 $0x4100  }
0x15c: {  	[tilespmem:s24], [sflag:$0x1] =	stream.indirect_vreg.gather [hbm4b:s1+s3], $0x80, v4, vm0, $0xb8;
	[tilespmem:$0x18100] =	vst v63  }
0x15d: {  	v3 =	vperm.xlane v3, v2;
	s24 =	simm.s32 $0x4900  }
0x15e: {  	[tilespmem:s24], [sflag:$0x1] =	stream.indirect_vreg.gather [hbm4b:s4+s3], $0x80, v4, vm0, $0xb8;
	[tilespmem:$0x18100] =	vst v63  }
0x15f: {  	v3 =	vadd.s32 v1, v3;
	s24 =	simm.s32 $0x5100  }
0x160: {  	[tilespmem:s24], [sflag:$0x1] =	stream.indirect_vreg.gather [hbm4b:s5+s3], $0x80, v4, vm0, $0xb8;
	[tilespmem:$0x18100] =	vst v63  }
0x161: {  	s24 =	simm.s32 $0x5900  }
0x162: {  	[tilespmem:s24], [sflag:$0x1] =	stream.indirect_vreg.gather [hbm4b:s6+s3], $0x80, v4, vm0, $0xb8;
	[tilespmem:$0x18100] =	vst v63  }
0x163: {  	s24 =	simm.s32 $0x6100  }
0x164: {  	[tilespmem:s24], [sflag:$0x1] =	stream.indirect_vreg.gather [hbm4b:s1+s3], $0x80, v3, vm0, $0xb8;
	[tilespmem:$0x18100] =	vst v63  }
0x165: {  	s24 =	simm.s32 $0x6900  }
0x166: {  	[tilespmem:s24], [sflag:$0x1] =	stream.indirect_vreg.gather [hbm4b:s4+s3], $0x80, v3, vm0, $0xb8;
	[tilespmem:$0x18100] =	vst v63  }
0x167: {  	s24 =	simm.s32 $0x7100  }
0x168: {  	[tilespmem:s24], [sflag:$0x1] =	stream.indirect_vreg.gather [hbm4b:s5+s3], $0x80, v3, vm0, $0xb8;
	[tilespmem:$0x18100] =	vst v63  }
0x169: {  	s8 =	simm.s32 $0x7900  }
0x16a: {  	[tilespmem:s8], [sflag:$0x1] =	stream.indirect_vreg.gather [hbm4b:s6+s3], $0x80, v3, vm0, $0xb8;
	[tilespmem:$0x18100] =	vst v63  }
0x16b: {  	s24 =	rddreg [dreg:$0x9]  }
0x16c: {  	[hbm4b:s24+s3] =	stream.linear.scatter [tilespmem:s0], [sflag:$0x5], $0x8000, $0x38;
	[tilespmem:$0x18100] =	vst v63  }
0x16d: {  	_ =	swait.ge [sflag:s23], $0x8000  }
0x16e: {  	[sflag:s23] =	ssyncset.done $0x0  }
0x16f: {  	[sflag:s23] =	ssyncadd.s32 $0xFFFF8000  }
0x170: {  	_ =	swait.ge [sflag:s22], $0x8000  }
0x171: {  	[sflag:s22] =	ssyncset.done $0x0  }
0x172: {  	[sflag:s22] =	ssyncadd.s32 $0xFFFF8000  }
0x173: {  	v3 =	vld [tilespmem:$0xE0];
	_ =	sdelay $0x4  }
0x174: {  	v62 =	vshll.u32 v3, $0x3  }
0x175: {  	v3 =	vand.u32 $0x7, v3;
	v4 =	vand.u32 $0xFFFFFFC0, v62  }
0x176: {  	v3 =	vor.u32 v3, v4  }
0x177: {  	v4 =	vperm.xlane v3, v0;
	_ =	sdelay $0x1  }
0x178: {  	v4 =	vadd.s32 v1, v4;
	_ =	sdelay $0x4  }
0x179: {  	[tilespmem:s0], [sflag:$0x2] =	stream.indirect_vreg.gather [hbm4b:s1+s3], $0x80, v4, vm0, $0xb8;
	[tilespmem:$0x18100] =	vst v63  }
0x17a: {  	s23 =	simm.s32 $0x8900;
	v3 =	vperm.xlane v3, v2  }
0x17b: {  	[tilespmem:s23], [sflag:$0x2] =	stream.indirect_vreg.gather [hbm4b:s4+s3], $0x80, v4, vm0, $0xb8;
	[tilespmem:$0x18100] =	vst v63  }
0x17c: {  	s24 =	simm.s32 $0x9100;
	v3 =	vadd.s32 v1, v3  }
0x17d: {  	[tilespmem:s24], [sflag:$0x2] =	stream.indirect_vreg.gather [hbm4b:s5+s3], $0x80, v4, vm0, $0xb8;
	[tilespmem:$0x18100] =	vst v63  }
0x17e: {  	s23 =	simm.s32 $0x9900  }
0x17f: {  	[tilespmem:s23], [sflag:$0x2] =	stream.indirect_vreg.gather [hbm4b:s6+s3], $0x80, v4, vm0, $0xb8;
	[tilespmem:$0x18100] =	vst v63  }
0x180: {  	s24 =	simm.s32 $0xA100  }
0x181: {  	[tilespmem:s24], [sflag:$0x2] =	stream.indirect_vreg.gather [hbm4b:s1+s3], $0x80, v3, vm0, $0xb8;
	[tilespmem:$0x18100] =	vst v63  }
0x182: {  	s23 =	simm.s32 $0xA900  }
0x183: {  	[tilespmem:s23], [sflag:$0x2] =	stream.indirect_vreg.gather [hbm4b:s4+s3], $0x80, v3, vm0, $0xb8;
	[tilespmem:$0x18100] =	vst v63  }
0x184: {  	s24 =	simm.s32 $0xB100  }
0x185: {  	[tilespmem:s24], [sflag:$0x2] =	stream.indirect_vreg.gather [hbm4b:s5+s3], $0x80, v3, vm0, $0xb8;
	[tilespmem:$0x18100] =	vst v63  }
0x186: {  	s23 =	simm.s32 $0xB900  }
0x187: {  	[tilespmem:s23], [sflag:$0x2] =	stream.indirect_vreg.gather [hbm4b:s6+s3], $0x80, v3, vm0, $0xb8;
	[tilespmem:$0x18100] =	vst v63  }
0x188: {  	v3 =	vld [tilespmem:$0xF0];
	_ =	sdelay $0x4  }
0x189: {  	v63 =	vshll.u32 v3, $0x3  }
0x18a: {  	v3 =	vand.u32 $0x7, v3;
	v4 =	vand.u32 $0xFFFFFFC0, v63  }
0x18b: {  	v3 =	vor.u32 v3, v4  }
0x18c: {  	v4 =	vperm.xlane v3, v0;
	_ =	sdelay $0x1  }
0x18d: {  	v4 =	vadd.s32 v1, v4;
	_ =	sdelay $0x3  }
0x18e: {  	s24 =	simm.s32 $0xC100  }
0x18f: {  	[tilespmem:s24], [sflag:$0x2] =	stream.indirect_vreg.gather [hbm4b:s1+s3], $0x80, v4, vm0, $0xb8;
	[tilespmem:$0x18100] =	vst v63  }
0x190: {  	s23 =	simm.s32 $0xC900;
	v3 =	vperm.xlane v3, v2  }
0x191: {  	[tilespmem:s23], [sflag:$0x2] =	stream.indirect_vreg.gather [hbm4b:s4+s3], $0x80, v4, vm0, $0xb8;
	[tilespmem:$0x18100] =	vst v63  }
0x192: {  	v3 =	vadd.s32 v1, v3;
	s24 =	simm.s32 $0xD100  }
0x193: {  	[tilespmem:s24], [sflag:$0x2] =	stream.indirect_vreg.gather [hbm4b:s5+s3], $0x80, v4, vm0, $0xb8;
	[tilespmem:$0x18100] =	vst v63  }
0x194: {  	s23 =	simm.s32 $0xD900  }
0x195: {  	[tilespmem:s23], [sflag:$0x2] =	stream.indirect_vreg.gather [hbm4b:s6+s3], $0x80, v4, vm0, $0xb8;
	[tilespmem:$0x18100] =	vst v63  }
0x196: {  	s24 =	simm.s32 $0xE100  }
0x197: {  	[tilespmem:s24], [sflag:$0x2] =	stream.indirect_vreg.gather [hbm4b:s1+s3], $0x80, v3, vm0, $0xb8;
	[tilespmem:$0x18100] =	vst v63  }
0x198: {  	s23 =	simm.s32 $0xE900  }
0x199: {  	[tilespmem:s23], [sflag:$0x2] =	stream.indirect_vreg.gather [hbm4b:s4+s3], $0x80, v3, vm0, $0xb8;
	[tilespmem:$0x18100] =	vst v63  }
0x19a: {  	s24 =	simm.s32 $0xF100  }
0x19b: {  	[tilespmem:s24], [sflag:$0x2] =	stream.indirect_vreg.gather [hbm4b:s5+s3], $0x80, v3, vm0, $0xb8;
	[tilespmem:$0x18100] =	vst v63  }
0x19c: {  	s23 =	simm.s32 $0xF900  }
0x19d: {  	[tilespmem:s23], [sflag:$0x2] =	stream.indirect_vreg.gather [hbm4b:s6+s3], $0x80, v3, vm0, $0xb8;
	[tilespmem:$0x18100] =	vst v63  }
0x19e: {  	s24 =	rddreg [dreg:$0xa]  }
0x19f: {  	[hbm4b:s24+s3] =	stream.linear.scatter [tilespmem:s2], [sflag:$0x6], $0x8000, $0x38;
	[tilespmem:$0x18100] =	vst v63  }
0x1a0: {  	_ =	swait.ge [sflag:s17], $0x8000  }
0x1a1: {  	[sflag:s17] =	ssyncset.done $0x0  }
0x1a2: {  	s8 =	rddreg [dreg:$0xb];
	[sflag:s17] =	ssyncadd.s32 $0xFFFF8000  }
0x1a3: {  	[hbm4b:s8+s3] =	stream.linear.scatter [tilespmem:s25], [sflag:$0x4], $0x8000, $0x38;
	[tilespmem:$0x18100] =	vst v63  }
0x1a4: {  	_ =	swait.ge [sflag:s19], $0x8000  }
0x1a5: {  	[sflag:s19] =	ssyncset.done $0x0  }
0x1a6: {  	s23 =	rddreg [dreg:$0xc];
	[sflag:s19] =	ssyncadd.s32 $0xFFFF8000  }
0x1a7: {  	[hbm4b:s23+s3] =	stream.linear.scatter [tilespmem:s0], [sflag:$0x5], $0x8000, $0x38;
	[tilespmem:$0x18100] =	vst v63  }
0x1a8: {  	_ =	swait.ge [sflag:s31], $0x8000  }
0x1a9: {  	[sflag:s31] =	ssyncset.done $0x0  }
0x1aa: {  	[sflag:s31] =	ssyncadd.s32 $0xFFFF8000  }
0x1ab: {  	p0 =	sne.s32 s7, $0x1;
	_ =	swait.ge [sflag:s20], $0x8000  }
.Ltmp0:
0x1ac: {  	[sflag:s20] =	ssyncset.done $0x0;
	(pc) =	sbr.rel @p0 .LBB2_1-.Ltmp0, $4  }
0x1ad: {  	[sflag:s20] =	ssyncadd.s32 $0xFFFF8000  }
0x1ae: {  	_ =	swait.ge [sflag:s22], $0x8000  }
0x1af: {  	[sflag:s22] =	ssyncset.done $0x0  }
0x1b0: {  	s7 =	sadd.s32 $0xFFFFFFFF, s7;
	[sflag:s22] =	ssyncadd.s32 $0xFFFF8000  }
0x1b1: {  	_ =	sfence.sel $0x180000  }
0x1b2: {  	[bflag:$0x0] =	sbarrier.arrive $0xFFFF  }
0x1b3: {  	_ =	strace $0x90000047  }
0x1b4: {  	s0 =	stileid.u32;
	[bflag:$0x2] =	sbarrier.arrive $0xFFFF  }
0x1b5: {  	p0 =	sne.s32 s0, $0x0;
	s0 =	rddreg [dreg:$0x3]  }
0x1b6: {  	s0 =	sadd.s32 @!p0 $0x100000, s0  }
0x1b7: {  	[sflag:s0] =	ssyncadd.tile.s32 @!p0 $0x1;
	_ =	shalt  }
.Lfunc_end2:
_tile_overlayer_lowered:
.L_overlay_start_2:
0x1b8: {  	(tag) =	ssettag $0x2  }
0x1b9: {  	s0 =	rddreg [dreg:$0x0];
	s2 =	stileid.u32  }
0x1ba: {  	s1 =	rddreg [dreg:$0x1];
	p0 =	sne.s32 s2, $0x0  }
0x1bb: {  	s3 =	rddreg [dreg:$0x2];
	[bflag:$0x3] =	sbarrier.arrive $0xFFFF;
	s2 =	simm.s32 @!p0 $0x1C07  }
0x1bc: {  	[timem:s3], [sflag:s2] =	dma.local @!p0 [hbm:s0], s1  }
0x1bd: {  	s0 =	simm.s32 @!p0 $0x7  }
0x1be: {  	_ =	swait.ge @!p0 [sflag:s0], s1  }
0x1bf: {  	s1 =	ssub.s32 @!p0 $0x0, s1;
	[sflag:s0] =	ssyncset.done @!p0 $0x0  }
0x1c0: {  	[sflag:s0] =	ssyncadd.s32 @!p0 s1  }
0x1c1: {  	[bflag:$0x3] =	sbarrier.arrive $0xFFFF  }
0x1c2: {  	_ =	shalt  }

</sc_bundles>
